<compile_context>
chip_gen: v7x
topology: tpu7x:2x2x1
jax: 0.10.2.dev20260603
libtpu: 0.0.44.dev20260713+nightly
codegen_flags: <defaults>
</compile_context>

<pallas_src>
import functools

import jax
import jax.numpy as jnp
from jax import lax
from jax.experimental import pallas as pl
from jax.experimental.pallas import tpu as pltpu
from jax.experimental.pallas import tpu_sc as plsc

_D = 64
_SCALE = 8.0
_NC = 2
_NS = 16
_NW = _NC * _NS
_LANE = 128


def _iota16():
    return lax.iota(jnp.int32, 16)


def _sc_transpose(table_t):
    V = table_t.shape[1]
    nb = -(-V // _LANE)
    per_w = -(-nb // _NW)
    trn = nb * (_LANE // 2)

    mesh = plsc.VectorSubcoreMesh(core_axis_name="c", subcore_axis_name="s")

    @functools.partial(
        pl.kernel,
        out_type=jax.ShapeDtypeStruct((trn, _LANE), jnp.float32),
        mesh=mesh,
        scratch_types=[
            *[pltpu.VMEM((_D, _LANE), jnp.float32) for _ in range(4)],
            *[pltpu.SemaphoreType.DMA for _ in range(4)],
        ],
        compiler_params=pltpu.CompilerParams(needs_layout_passes=False),
    )
    def k(tab_hbm, tr_hbm, sb0, sb1, db0, db1, gi0, gi1, go0, go1):
        sbs = (sb0, sb1)
        dbs = (db0, db1)
        gis = (gi0, gi1)
        gos = (go0, go1)
        wid = lax.axis_index("s") * _NC + lax.axis_index("c")
        blk0 = wid * per_w
        it16 = _iota16()
        z16 = jnp.zeros((16,), jnp.int32)

        def in_desc(k_, p):
            return pltpu.make_async_copy(
                tab_hbm.at[:, pl.ds((blk0 + k_) * _LANE, _LANE)],
                sbs[p], gis[p])

        def out_desc(k_, p):
            return pltpu.make_async_copy(
                dbs[p], tr_hbm.at[pl.ds((blk0 + k_) * 64, 64)], gos[p])

        def valid(k_):
            return (blk0 + k_ < nb) & (k_ < per_w)

        @pl.when(valid(0))
        def _():
            in_desc(0, 0).start()

        def step(k_, p):
            @pl.when(valid(k_))
            def _():
                @pl.when(valid(k_ + 1))
                def _():
                    in_desc(k_ + 1, 1 - p).start()
                in_desc(k_, p).wait()

                @pl.when(k_ >= 2)
                def _():
                    out_desc(k_ - 2, p).wait()

                def trans(j, c_):
                    c0 = z16 + 2 * j
                    c1 = z16 + (2 * j + 1)
                    for q in range(4):
                        rq = it16 + 16 * q
                        g0 = plsc.load_gather(sbs[p], [rq, c0])
                        g1 = plsc.load_gather(sbs[p], [rq, c1])
                        dbs[p][j, pl.ds(16 * q, 16)] = g0
                        dbs[p][j, pl.ds(64 + 16 * q, 16)] = g1
                    return c_

                lax.fori_loop(0, 64, trans, 0)
                out_desc(k_, p).start()

        def group(g, carry):
            step(2 * g, 0)
            step(2 * g + 1, 1)
            return carry

        lax.fori_loop(0, (per_w + 1) // 2, group, 0,
                      unroll=False)
        for k_ in (per_w - 2, per_w - 1):
            if k_ >= 0:
                @pl.when(valid(k_))
                def _():
                    out_desc(k_, k_ % 2).wait()

    return k(table_t)


def _sc_gather_scale(tr, x_t, n_i):
    C = x_t.shape[0]
    nt = n_i // _LANE
    pairs = C * nt
    per_w = pairs // _NW

    mesh = plsc.VectorSubcoreMesh(core_axis_name="c", subcore_axis_name="s")

    @functools.partial(
        pl.kernel,
        out_type=jax.ShapeDtypeStruct((C, _D, n_i), jnp.float32),
        mesh=mesh,
        scratch_types=[
            pltpu.VMEM((_LANE,), jnp.int32),
            *[pltpu.VMEM((_LANE,), jnp.int32) for _ in range(2)],
            *[pltpu.VMEM((_LANE,), jnp.int32) for _ in range(2)],
            *[pltpu.VMEM((_LANE, _LANE), jnp.float32) for _ in range(2)],
            *[pltpu.VMEM((_D, _LANE), jnp.float32) for _ in range(2)],
            *[pltpu.SemaphoreType.DMA for _ in range(4)],
        ],
        compiler_params=pltpu.CompilerParams(needs_layout_passes=False),
    )
    def k(tr_hbm, x_hbm, out_hbm, xv, iv0, iv1, pv0, pv1,
          rw0, rw1, ot0, ot1, gg0, gg1, go0, go1):
        ivs = (iv0, iv1)
        pvs = (pv0, pv1)
        rws = (rw0, rw1)
        ots = (ot0, ot1)
        ggs = (gg0, gg1)
        gos = (go0, go1)
        wid = lax.axis_index("s") * _NC + lax.axis_index("c")
        p0 = wid * per_w
        it16 = _iota16()

        def c_of(k_):
            return (p0 + k_) // nt

        def ti_of(k_):
            return (p0 + k_) - nt * c_of(k_)

        def load_idx(k_, p):
            pltpu.sync_copy(
                x_hbm.at[c_of(k_), pl.ds(ti_of(k_) * _LANE, _LANE)], xv)
            for m in range(8):
                sl = pl.ds(16 * m, 16)
                v = xv[sl]
                ivs[p][sl] = v >> 1
                pvs[p][sl] = (v & 1) * 64

        def gather_desc(k_, p):
            return pltpu.make_async_copy(tr_hbm.at[ivs[p]], rws[p], ggs[p])

        def out_desc(k_, p):
            return pltpu.make_async_copy(
                ots[p],
                out_hbm.at[c_of(k_), :, pl.ds(ti_of(k_) * _LANE, _LANE)],
                gos[p])

        load_idx(0, 0)
        gather_desc(0, 0).start()

        def step(k_, p):
            @pl.when(k_ + 1 < per_w)
            def _():
                load_idx(k_ + 1, 1 - p)
                gather_desc(k_ + 1, 1 - p).start()
            gather_desc(k_, p).wait()

            @pl.when(k_ >= 2)
            def _():
                out_desc(k_ - 2, p).wait()

            parv = [pvs[p][pl.ds(16 * m, 16)] for m in range(8)]

            def assemble(d, c_):
                for m in range(8):
                    colv = parv[m] + d
                    g = plsc.load_gather(rws[p], [it16 + 16 * m, colv])
                    ots[p][d, pl.ds(16 * m, 16)] = g * _SCALE
                return c_

            lax.fori_loop(0, _D, assemble, 0)
            out_desc(k_, p).start()

        def group(g, carry):
            step(2 * g, 0)
            step(2 * g + 1, 1)
            return carry

        lax.fori_loop(0, per_w // 2, group, 0)
        out_desc(per_w - 2, 0).wait()
        out_desc(per_w - 1, 1).wait()

    return k(tr, x_t)


def kernel(x, lut_weight):
    xi = x.astype(jnp.int32)
    if (x.ndim == 2 and lut_weight.shape[1] == _D
            and x.shape[0] % _LANE == 0
            and (x.size // _LANE) % (2 * _NW) == 0):
        tr = _sc_transpose(lut_weight.T)
        out_t = _sc_gather_scale(tr, xi.T, x.shape[0])
        return out_t.transpose(2, 0, 1)
    n = x.size
    gran = _LANE * 2 * _NW
    pad = (-n) % gran
    flat = xi.reshape(-1)
    if pad:
        flat = jnp.concatenate([flat, jnp.zeros((pad,), jnp.int32)])
    tr = _sc_transpose(lut_weight.T)
    out_t = _sc_gather_scale(tr, flat.reshape(1, -1), flat.shape[0])
    out = out_t[0].T[:n]
    return out.reshape(*x.shape, _D)

# --- scband reference (transcript-rebuilt; emitter-appended) ---
"""Pipeline reference for scband-embeddings-31756988187330 (READ-ONLY COPY).

The authoritative reference and input builder live on the scoring server;
editing this copy changes nothing except your own understanding.
"""

import jax, jax.numpy as jnp
import numpy as np
import math

D_MODEL = 64
VOCAB = 1000000

def setup_inputs(seed: int = 0) -> dict:
    key = jax.random.key(seed)
    k1, k2 = jax.random.split(key)
    x = jax.random.randint(k1, (16384, 20), 0, VOCAB, dtype=jnp.int64 if jax.config.read('jax_enable_x64') else jnp.int32)
    lut_weight = jax.random.normal(k2, (VOCAB, D_MODEL), dtype=jnp.float32)
    return {"x": x, "lut_weight": lut_weight}

def reference(x, lut_weight):
    # Embeddings.forward: self.lut(x) * math.sqrt(self.d_model)
    emb = jnp.take(lut_weight, x, axis=0)
    return emb * math.sqrt(D_MODEL)

if __name__ == "__main__":
    import jax
    _d = setup_inputs()
    print(jax.jit(kernel)(*tuple(_d.values())))

</pallas_src>

<mosaic_0001>
#map = affine_map<(d0, d1) -> (0, 0)>
#map1 = affine_map<(d0, d1) -> (0, 0, 0)>
module attributes {stable_mosaic.version = 14 : i64} {
  func.func @k(%arg0: i32, %arg1: i32, %arg2: memref<500032x128xf32, #tpu.memory_space<hbm>>, %arg3: memref<20x16384xi32, #tpu.memory_space<hbm>>, %arg4: memref<20x64x16384xf32, #tpu.memory_space<hbm>>, %arg5: memref<128xi32, #tpu.memory_space<vmem>>, %arg6: memref<128xi32, #tpu.memory_space<vmem>>, %arg7: memref<128xi32, #tpu.memory_space<vmem>>, %arg8: memref<128xi32, #tpu.memory_space<vmem>>, %arg9: memref<128xi32, #tpu.memory_space<vmem>>, %arg10: memref<128x128xf32, #tpu.memory_space<vmem>>, %arg11: memref<128x128xf32, #tpu.memory_space<vmem>>, %arg12: memref<64x128xf32, #tpu.memory_space<vmem>>, %arg13: memref<64x128xf32, #tpu.memory_space<vmem>>, %arg14: memref<!tpu.dma_semaphore, #tpu.memory_space<semaphore_mem>>, %arg15: memref<!tpu.dma_semaphore, #tpu.memory_space<semaphore_mem>>, %arg16: memref<!tpu.dma_semaphore, #tpu.memory_space<semaphore_mem>>, %arg17: memref<!tpu.dma_semaphore, #tpu.memory_space<semaphore_mem>>) attributes {dimension_semantics = [#tpu.dimension_semantics<core_parallel>, #tpu.dimension_semantics<subcore_parallel>], iteration_bounds = array<i64: 2, 16>, scalar_prefetch = 0 : i64, scratch_operands = 13 : i64, tpu.core_type = #tpu.core_type<sc_vector_subcore>, window_params = [{transform_indices = #map}, {transform_indices = #map}, {transform_indices = #map1}]} {
    %mul3A = arith.constant 2 : i32
    %mul3A_0 = arith.muli %arg1, %mul3A : i32
    %add3A = arith.addi %mul3A_0, %arg0 : i32
    %mul3A_1 = arith.constant 80 : i32
    %mul3A_2 = arith.muli %add3A, %mul3A_1 : i32
    %iota3A = tpu.iota {dimensions = array<i32: 0>} : vector<16xi32>
    %add3A_3 = arith.constant 0 : i32
    %add3A_4 = arith.addi %mul3A_2, %add3A_3 : i32
    %jit3A = arith.constant 128 : i32
    %div3A = arith.divsi %add3A_4, %jit3A : i32
    %sign3A = arith.constant 0 : i32
    %sign3A_5 = arith.cmpi sgt, %add3A_4, %sign3A : i32
    %sign3A_6 = arith.extui %sign3A_5 : i1 to i32
    %sign3A_7 = arith.constant 0 : i32
    %sign3A_8 = arith.cmpi slt, %add3A_4, %sign3A_7 : i32
    %sign3A_9 = arith.extui %sign3A_8 : i1 to i32
    %sign3A_10 = arith.subi %sign3A_6, %sign3A_9 : i32
    %sign3A_11 = arith.constant 0 : i32
    %sign3A_12 = arith.cmpi sgt, %jit3A, %sign3A_11 : i32
    %sign3A_13 = arith.extui %sign3A_12 : i1 to i32
    %sign3A_14 = arith.constant 0 : i32
    %sign3A_15 = arith.cmpi slt, %jit3A, %sign3A_14 : i32
    %sign3A_16 = arith.extui %sign3A_15 : i1 to i32
    %sign3A_17 = arith.subi %sign3A_13, %sign3A_16 : i32
    %ne3A = arith.cmpi ne, %sign3A_10, %sign3A_17 : i32
    %rem3A = arith.remsi %add3A_4, %jit3A : i32
    %ne3A_18 = arith.constant 0 : i32
    %ne3A_19 = arith.cmpi ne, %rem3A, %ne3A_18 : i32
    %and3A = arith.andi %ne3A, %ne3A_19 : i1
    %sub3A = arith.constant 1 : i32
    %sub3A_20 = arith.subi %div3A, %sub3A : i32
    %select_n3A = arith.select %and3A, %sub3A_20, %div3A : i32
    %add3A_21 = arith.constant 0 : i32
    %add3A_22 = arith.addi %mul3A_2, %add3A_21 : i32
    %add3A_23 = arith.constant 0 : i32
    %add3A_24 = arith.addi %mul3A_2, %add3A_23 : i32
    %jit3A_25 = arith.constant 128 : i32
    %div3A_26 = arith.divsi %add3A_24, %jit3A_25 : i32
    %sign3A_27 = arith.constant 0 : i32
    %sign3A_28 = arith.cmpi sgt, %add3A_24, %sign3A_27 : i32
    %sign3A_29 = arith.extui %sign3A_28 : i1 to i32
    %sign3A_30 = arith.constant 0 : i32
    %sign3A_31 = arith.cmpi slt, %add3A_24, %sign3A_30 : i32
    %sign3A_32 = arith.extui %sign3A_31 : i1 to i32
    %sign3A_33 = arith.subi %sign3A_29, %sign3A_32 : i32
    %sign3A_34 = arith.constant 0 : i32
    %sign3A_35 = arith.cmpi sgt, %jit3A_25, %sign3A_34 : i32
    %sign3A_36 = arith.extui %sign3A_35 : i1 to i32
    %sign3A_37 = arith.constant 0 : i32
    %sign3A_38 = arith.cmpi slt, %jit3A_25, %sign3A_37 : i32
    %sign3A_39 = arith.extui %sign3A_38 : i1 to i32
    %sign3A_40 = arith.subi %sign3A_36, %sign3A_39 : i32
    %ne3A_41 = arith.cmpi ne, %sign3A_33, %sign3A_40 : i32
    %rem3A_42 = arith.remsi %add3A_24, %jit3A_25 : i32
    %ne3A_43 = arith.constant 0 : i32
    %ne3A_44 = arith.cmpi ne, %rem3A_42, %ne3A_43 : i32
    %and3A_45 = arith.andi %ne3A_41, %ne3A_44 : i1
    %sub3A_46 = arith.constant 1 : i32
    %sub3A_47 = arith.subi %div3A_26, %sub3A_46 : i32
    %select_n3A_48 = arith.select %and3A_45, %sub3A_47, %div3A_26 : i32
    %mul3A_49 = arith.constant 128 : i32
    %mul3A_50 = arith.muli %mul3A_49, %select_n3A_48 : i32
    %sub3A_51 = arith.subi %add3A_22, %mul3A_50 : i32
    %mul3A_52 = arith.constant 128 : i32
    %mul3A_53 = arith.muli %sub3A_51, %mul3A_52 : i32
    "tpu.region"() ({
      %run_scoped3A = tpu.sem_alloc : memref<!tpu.dma_semaphore, #tpu.memory_space<semaphore_mem>>
      %dma_start3A_307 = tpu.memref_slice %arg3[%select_n3A, %mul3A_53] : memref<20x16384xi32, #tpu.memory_space<hbm>> -> memref<1x128xi32, #tpu.memory_space<hbm>>
      %dma_start3A_308 = tpu.memref_squeeze %dma_start3A_307 : memref<1x128xi32, #tpu.memory_space<hbm>> -> memref<128xi32, #tpu.memory_space<hbm>>
      %dma_start3A_309 = tpu.memref_slice %arg3[%select_n3A, %mul3A_53] : memref<20x16384xi32, #tpu.memory_space<hbm>> -> memref<1x128xi32, #tpu.memory_space<hbm>>
      %dma_start3A_310 = tpu.memref_squeeze %dma_start3A_309 : memref<1x128xi32, #tpu.memory_space<hbm>> -> memref<128xi32, #tpu.memory_space<hbm>>
      tpu.enqueue_dma source(%dma_start3A_310 : memref<128xi32, #tpu.memory_space<hbm>>) target(%arg5 : memref<128xi32, #tpu.memory_space<vmem>>) target_semaphore(%run_scoped3A : memref<!tpu.dma_semaphore, #tpu.memory_space<semaphore_mem>>)
      %dma_wait3A_311 = tpu.memref_slice %arg3[%select_n3A, %mul3A_53] : memref<20x16384xi32, #tpu.memory_space<hbm>> -> memref<1x128xi32, #tpu.memory_space<hbm>>
      %dma_wait3A_312 = tpu.memref_squeeze %dma_wait3A_311 : memref<1x128xi32, #tpu.memory_space<hbm>> -> memref<128xi32, #tpu.memory_space<hbm>>
      %dma_wait3A_313 = tpu.memref_slice %arg3[%select_n3A, %mul3A_53] : memref<20x16384xi32, #tpu.memory_space<hbm>> -> memref<1x128xi32, #tpu.memory_space<hbm>>
      %dma_wait3A_314 = tpu.memref_squeeze %dma_wait3A_313 : memref<1x128xi32, #tpu.memory_space<hbm>> -> memref<128xi32, #tpu.memory_space<hbm>>
      tpu.wait_dma2 semaphore(%run_scoped3A : memref<!tpu.dma_semaphore, #tpu.memory_space<semaphore_mem>>) src(%dma_wait3A_314 : memref<128xi32, #tpu.memory_space<hbm>>) dst(%arg5 : memref<128xi32, #tpu.memory_space<vmem>>)
      tpu.yield
    }) : () -> ()
    %get3A = arith.constant 0 : index
    %get3A_54 = tpu.vector_load %arg5[%get3A] {strides = array<i32>} : memref<128xi32, #tpu.memory_space<vmem>>, vector<16xi32>,
    %shift_right_arithmetic3A = arith.constant 1 : i32
    %shift_right_arithmetic3A_55 = vector.broadcast %shift_right_arithmetic3A : i32 to vector<16xi32>
    %shift_right_arithmetic3A_56 = arith.shrsi %get3A_54, %shift_right_arithmetic3A_55 : vector<16xi32>
    %swap3A = arith.constant 0 : index
    %swap3A_57 = tpu.vector_load %arg6[%swap3A] {strides = array<i32>} : memref<128xi32, #tpu.memory_space<vmem>>, vector<16xi32>,
    tpu.vector_store %arg6[%swap3A], %shift_right_arithmetic3A_56 {strides = array<i32>} : memref<128xi32, #tpu.memory_space<vmem>>, vector<16xi32>,
    %and3A_58 = arith.constant 1 : i32
    %and3A_59 = vector.broadcast %and3A_58 : i32 to vector<16xi32>
    %and3A_60 = arith.andi %get3A_54, %and3A_59 : vector<16xi32>
    %mul3A_61 = arith.constant 64 : i32
    %mul3A_62 = vector.broadcast %mul3A_61 : i32 to vector<16xi32>
    %mul3A_63 = arith.muli %and3A_60, %mul3A_62 : vector<16xi32>
    %swap3A_64 = arith.constant 0 : index
    %swap3A_65 = tpu.vector_load %arg8[%swap3A_64] {strides = array<i32>} : memref<128xi32, #tpu.memory_space<vmem>>, vector<16xi32>,
    tpu.vector_store %arg8[%swap3A_64], %mul3A_63 {strides = array<i32>} : memref<128xi32, #tpu.memory_space<vmem>>, vector<16xi32>,
    %get3A_66 = arith.constant 16 : index
    %get3A_67 = tpu.vector_load %arg5[%get3A_66] {strides = array<i32>} : memref<128xi32, #tpu.memory_space<vmem>>, vector<16xi32>,
    %shift_right_arithmetic3A_68 = arith.constant 1 : i32
    %shift_right_arithmetic3A_69 = vector.broadcast %shift_right_arithmetic3A_68 : i32 to vector<16xi32>
    %shift_right_arithmetic3A_70 = arith.shrsi %get3A_67, %shift_right_arithmetic3A_69 : vector<16xi32>
    %swap3A_71 = arith.constant 16 : index
    %swap3A_72 = tpu.vector_load %arg6[%swap3A_71] {strides = array<i32>} : memref<128xi32, #tpu.memory_space<vmem>>, vector<16xi32>,
    tpu.vector_store %arg6[%swap3A_71], %shift_right_arithmetic3A_70 {strides = array<i32>} : memref<128xi32, #tpu.memory_space<vmem>>, vector<16xi32>,
    %and3A_73 = arith.constant 1 : i32
    %and3A_74 = vector.broadcast %and3A_73 : i32 to vector<16xi32>
    %and3A_75 = arith.andi %get3A_67, %and3A_74 : vector<16xi32>
    %mul3A_76 = arith.constant 64 : i32
    %mul3A_77 = vector.broadcast %mul3A_76 : i32 to vector<16xi32>
    %mul3A_78 = arith.muli %and3A_75, %mul3A_77 : vector<16xi32>
    %swap3A_79 = arith.constant 16 : index
    %swap3A_80 = tpu.vector_load %arg8[%swap3A_79] {strides = array<i32>} : memref<128xi32, #tpu.memory_space<vmem>>, vector<16xi32>,
    tpu.vector_store %arg8[%swap3A_79], %mul3A_78 {strides = array<i32>} : memref<128xi32, #tpu.memory_space<vmem>>, vector<16xi32>,
    %get3A_81 = arith.constant 32 : index
    %get3A_82 = tpu.vector_load %arg5[%get3A_81] {strides = array<i32>} : memref<128xi32, #tpu.memory_space<vmem>>, vector<16xi32>,
    %shift_right_arithmetic3A_83 = arith.constant 1 : i32
    %shift_right_arithmetic3A_84 = vector.broadcast %shift_right_arithmetic3A_83 : i32 to vector<16xi32>
    %shift_right_arithmetic3A_85 = arith.shrsi %get3A_82, %shift_right_arithmetic3A_84 : vector<16xi32>
    %swap3A_86 = arith.constant 32 : index
    %swap3A_87 = tpu.vector_load %arg6[%swap3A_86] {strides = array<i32>} : memref<128xi32, #tpu.memory_space<vmem>>, vector<16xi32>,
    tpu.vector_store %arg6[%swap3A_86], %shift_right_arithmetic3A_85 {strides = array<i32>} : memref<128xi32, #tpu.memory_space<vmem>>, vector<16xi32>,
    %and3A_88 = arith.constant 1 : i32
    %and3A_89 = vector.broadcast %and3A_88 : i32 to vector<16xi32>
    %and3A_90 = arith.andi %get3A_82, %and3A_89 : vector<16xi32>
    %mul3A_91 = arith.constant 64 : i32
    %mul3A_92 = vector.broadcast %mul3A_91 : i32 to vector<16xi32>
    %mul3A_93 = arith.muli %and3A_90, %mul3A_92 : vector<16xi32>
    %swap3A_94 = arith.constant 32 : index
    %swap3A_95 = tpu.vector_load %arg8[%swap3A_94] {strides = array<i32>} : memref<128xi32, #tpu.memory_space<vmem>>, vector<16xi32>,
    tpu.vector_store %arg8[%swap3A_94], %mul3A_93 {strides = array<i32>} : memref<128xi32, #tpu.memory_space<vmem>>, vector<16xi32>,
    %get3A_96 = arith.constant 48 : index
    %get3A_97 = tpu.vector_load %arg5[%get3A_96] {strides = array<i32>} : memref<128xi32, #tpu.memory_space<vmem>>, vector<16xi32>,
    %shift_right_arithmetic3A_98 = arith.constant 1 : i32
    %shift_right_arithmetic3A_99 = vector.broadcast %shift_right_arithmetic3A_98 : i32 to vector<16xi32>
    %shift_right_arithmetic3A_100 = arith.shrsi %get3A_97, %shift_right_arithmetic3A_99 : vector<16xi32>
    %swap3A_101 = arith.constant 48 : index
    %swap3A_102 = tpu.vector_load %arg6[%swap3A_101] {strides = array<i32>} : memref<128xi32, #tpu.memory_space<vmem>>, vector<16xi32>,
    tpu.vector_store %arg6[%swap3A_101], %shift_right_arithmetic3A_100 {strides = array<i32>} : memref<128xi32, #tpu.memory_space<vmem>>, vector<16xi32>,
    %and3A_103 = arith.constant 1 : i32
    %and3A_104 = vector.broadcast %and3A_103 : i32 to vector<16xi32>
    %and3A_105 = arith.andi %get3A_97, %and3A_104 : vector<16xi32>
    %mul3A_106 = arith.constant 64 : i32
    %mul3A_107 = vector.broadcast %mul3A_106 : i32 to vector<16xi32>
    %mul3A_108 = arith.muli %and3A_105, %mul3A_107 : vector<16xi32>
    %swap3A_109 = arith.constant 48 : index
    %swap3A_110 = tpu.vector_load %arg8[%swap3A_109] {strides = array<i32>} : memref<128xi32, #tpu.memory_space<vmem>>, vector<16xi32>,
    tpu.vector_store %arg8[%swap3A_109], %mul3A_108 {strides = array<i32>} : memref<128xi32, #tpu.memory_space<vmem>>, vector<16xi32>,
    %get3A_111 = arith.constant 64 : index
    %get3A_112 = tpu.vector_load %arg5[%get3A_111] {strides = array<i32>} : memref<128xi32, #tpu.memory_space<vmem>>, vector<16xi32>,
    %shift_right_arithmetic3A_113 = arith.constant 1 : i32
    %shift_right_arithmetic3A_114 = vector.broadcast %shift_right_arithmetic3A_113 : i32 to vector<16xi32>
    %shift_right_arithmetic3A_115 = arith.shrsi %get3A_112, %shift_right_arithmetic3A_114 : vector<16xi32>
    %swap3A_116 = arith.constant 64 : index
    %swap3A_117 = tpu.vector_load %arg6[%swap3A_116] {strides = array<i32>} : memref<128xi32, #tpu.memory_space<vmem>>, vector<16xi32>,
    tpu.vector_store %arg6[%swap3A_116], %shift_right_arithmetic3A_115 {strides = array<i32>} : memref<128xi32, #tpu.memory_space<vmem>>, vector<16xi32>,
    %and3A_118 = arith.constant 1 : i32
    %and3A_119 = vector.broadcast %and3A_118 : i32 to vector<16xi32>
    %and3A_120 = arith.andi %get3A_112, %and3A_119 : vector<16xi32>
    %mul3A_121 = arith.constant 64 : i32
    %mul3A_122 = vector.broadcast %mul3A_121 : i32 to vector<16xi32>
    %mul3A_123 = arith.muli %and3A_120, %mul3A_122 : vector<16xi32>
    %swap3A_124 = arith.constant 64 : index
    %swap3A_125 = tpu.vector_load %arg8[%swap3A_124] {strides = array<i32>} : memref<128xi32, #tpu.memory_space<vmem>>, vector<16xi32>,
    tpu.vector_store %arg8[%swap3A_124], %mul3A_123 {strides = array<i32>} : memref<128xi32, #tpu.memory_space<vmem>>, vector<16xi32>,
    %get3A_126 = arith.constant 80 : index
    %get3A_127 = tpu.vector_load %arg5[%get3A_126] {strides = array<i32>} : memref<128xi32, #tpu.memory_space<vmem>>, vector<16xi32>,
    %shift_right_arithmetic3A_128 = arith.constant 1 : i32
    %shift_right_arithmetic3A_129 = vector.broadcast %shift_right_arithmetic3A_128 : i32 to vector<16xi32>
    %shift_right_arithmetic3A_130 = arith.shrsi %get3A_127, %shift_right_arithmetic3A_129 : vector<16xi32>
    %swap3A_131 = arith.constant 80 : index
    %swap3A_132 = tpu.vector_load %arg6[%swap3A_131] {strides = array<i32>} : memref<128xi32, #tpu.memory_space<vmem>>, vector<16xi32>,
    tpu.vector_store %arg6[%swap3A_131], %shift_right_arithmetic3A_130 {strides = array<i32>} : memref<128xi32, #tpu.memory_space<vmem>>, vector<16xi32>,
    %and3A_133 = arith.constant 1 : i32
    %and3A_134 = vector.broadcast %and3A_133 : i32 to vector<16xi32>
    %and3A_135 = arith.andi %get3A_127, %and3A_134 : vector<16xi32>
    %mul3A_136 = arith.constant 64 : i32
    %mul3A_137 = vector.broadcast %mul3A_136 : i32 to vector<16xi32>
    %mul3A_138 = arith.muli %and3A_135, %mul3A_137 : vector<16xi32>
    %swap3A_139 = arith.constant 80 : index
    %swap3A_140 = tpu.vector_load %arg8[%swap3A_139] {strides = array<i32>} : memref<128xi32, #tpu.memory_space<vmem>>, vector<16xi32>,
    tpu.vector_store %arg8[%swap3A_139], %mul3A_138 {strides = array<i32>} : memref<128xi32, #tpu.memory_space<vmem>>, vector<16xi32>,
    %get3A_141 = arith.constant 96 : index
    %get3A_142 = tpu.vector_load %arg5[%get3A_141] {strides = array<i32>} : memref<128xi32, #tpu.memory_space<vmem>>, vector<16xi32>,
    %shift_right_arithmetic3A_143 = arith.constant 1 : i32
    %shift_right_arithmetic3A_144 = vector.broadcast %shift_right_arithmetic3A_143 : i32 to vector<16xi32>
    %shift_right_arithmetic3A_145 = arith.shrsi %get3A_142, %shift_right_arithmetic3A_144 : vector<16xi32>
    %swap3A_146 = arith.constant 96 : index
    %swap3A_147 = tpu.vector_load %arg6[%swap3A_146] {strides = array<i32>} : memref<128xi32, #tpu.memory_space<vmem>>, vector<16xi32>,
    tpu.vector_store %arg6[%swap3A_146], %shift_right_arithmetic3A_145 {strides = array<i32>} : memref<128xi32, #tpu.memory_space<vmem>>, vector<16xi32>,
    %and3A_148 = arith.constant 1 : i32
    %and3A_149 = vector.broadcast %and3A_148 : i32 to vector<16xi32>
    %and3A_150 = arith.andi %get3A_142, %and3A_149 : vector<16xi32>
    %mul3A_151 = arith.constant 64 : i32
    %mul3A_152 = vector.broadcast %mul3A_151 : i32 to vector<16xi32>
    %mul3A_153 = arith.muli %and3A_150, %mul3A_152 : vector<16xi32>
    %swap3A_154 = arith.constant 96 : index
    %swap3A_155 = tpu.vector_load %arg8[%swap3A_154] {strides = array<i32>} : memref<128xi32, #tpu.memory_space<vmem>>, vector<16xi32>,
    tpu.vector_store %arg8[%swap3A_154], %mul3A_153 {strides = array<i32>} : memref<128xi32, #tpu.memory_space<vmem>>, vector<16xi32>,
    %get3A_156 = arith.constant 112 : index
    %get3A_157 = tpu.vector_load %arg5[%get3A_156] {strides = array<i32>} : memref<128xi32, #tpu.memory_space<vmem>>, vector<16xi32>,
    %shift_right_arithmetic3A_158 = arith.constant 1 : i32
    %shift_right_arithmetic3A_159 = vector.broadcast %shift_right_arithmetic3A_158 : i32 to vector<16xi32>
    %shift_right_arithmetic3A_160 = arith.shrsi %get3A_157, %shift_right_arithmetic3A_159 : vector<16xi32>
    %swap3A_161 = arith.constant 112 : index
    %swap3A_162 = tpu.vector_load %arg6[%swap3A_161] {strides = array<i32>} : memref<128xi32, #tpu.memory_space<vmem>>, vector<16xi32>,
    tpu.vector_store %arg6[%swap3A_161], %shift_right_arithmetic3A_160 {strides = array<i32>} : memref<128xi32, #tpu.memory_space<vmem>>, vector<16xi32>,
    %and3A_163 = arith.constant 1 : i32
    %and3A_164 = vector.broadcast %and3A_163 : i32 to vector<16xi32>
    %and3A_165 = arith.andi %get3A_157, %and3A_164 : vector<16xi32>
    %mul3A_166 = arith.constant 64 : i32
    %mul3A_167 = vector.broadcast %mul3A_166 : i32 to vector<16xi32>
    %mul3A_168 = arith.muli %and3A_165, %mul3A_167 : vector<16xi32>
    %swap3A_169 = arith.constant 112 : index
    %swap3A_170 = tpu.vector_load %arg8[%swap3A_169] {strides = array<i32>} : memref<128xi32, #tpu.memory_space<vmem>>, vector<16xi32>,
    tpu.vector_store %arg8[%swap3A_169], %mul3A_168 {strides = array<i32>} : memref<128xi32, #tpu.memory_space<vmem>>, vector<16xi32>,
    %dma_start3A = arith.constant 0 : i32
    %dma_start3A_171 = arith.constant 0 : i32
    %dma_start3A_172 = tpu.memref_slice %arg2[%dma_start3A, %dma_start3A_171] : memref<500032x128xf32, #tpu.memory_space<hbm>> -> memref<500032x128xf32, #tpu.memory_space<hbm>>
    tpu.enqueue_indirect_dma source(%dma_start3A_172 : memref<500032x128xf32, #tpu.memory_space<hbm>>) target(%arg10 : memref<128x128xf32, #tpu.memory_space<vmem>>) offsets(%arg6 : memref<128xi32, #tpu.memory_space<vmem>>) semaphore(%arg14 : memref<!tpu.dma_semaphore, #tpu.memory_space<semaphore_mem>>)
    %scan3A = arith.constant 0 : i32
    %scan3A_173 = arith.constant 0 : i32
    %scan3A_174 = arith.constant 40 : i32
    %scan3A_175 = arith.addi %scan3A_173, %scan3A_174 : i32
    %scan3A_176 = arith.constant 1 : i32
    scf.for %scan3A_307 = %scan3A_173 to %scan3A_175 step %scan3A_176  : i32 {
      %mul3A_308 = arith.constant 2 : i32
      %mul3A_309 = arith.muli %mul3A_308, %scan3A_307 : i32
      %add3A_310 = arith.constant 1 : i32
      %add3A_311 = arith.addi %mul3A_309, %add3A_310 : i32
      %lt3A = arith.constant 80 : i32
      %lt3A_312 = arith.cmpi slt, %add3A_311, %lt3A : i32
      %convert_element_type3A = arith.extui %lt3A_312 : i1 to i32
      %cond3A = arith.constant 0 : i32
      %cond3A_313 = arith.cmpi ne, %convert_element_type3A, %cond3A : i32
      scf.if %cond3A_313 {
        %add3A_508 = arith.constant 1 : i32
        %add3A_509 = arith.addi %mul3A_309, %add3A_508 : i32
        %add3A_510 = arith.addi %mul3A_2, %add3A_509 : i32
        %jit3A_511 = arith.constant 128 : i32
        %div3A_512 = arith.divsi %add3A_510, %jit3A_511 : i32
        %sign3A_513 = arith.constant 0 : i32
        %sign3A_514 = arith.cmpi sgt, %add3A_510, %sign3A_513 : i32
        %sign3A_515 = arith.extui %sign3A_514 : i1 to i32
        %sign3A_516 = arith.constant 0 : i32
        %sign3A_517 = arith.cmpi slt, %add3A_510, %sign3A_516 : i32
        %sign3A_518 = arith.extui %sign3A_517 : i1 to i32
        %sign3A_519 = arith.subi %sign3A_515, %sign3A_518 : i32
        %sign3A_520 = arith.constant 0 : i32
        %sign3A_521 = arith.cmpi sgt, %jit3A_511, %sign3A_520 : i32
        %sign3A_522 = arith.extui %sign3A_521 : i1 to i32
        %sign3A_523 = arith.constant 0 : i32
        %sign3A_524 = arith.cmpi slt, %jit3A_511, %sign3A_523 : i32
        %sign3A_525 = arith.extui %sign3A_524 : i1 to i32
        %sign3A_526 = arith.subi %sign3A_522, %sign3A_525 : i32
        %ne3A_527 = arith.cmpi ne, %sign3A_519, %sign3A_526 : i32
        %rem3A_528 = arith.remsi %add3A_510, %jit3A_511 : i32
        %ne3A_529 = arith.constant 0 : i32
        %ne3A_530 = arith.cmpi ne, %rem3A_528, %ne3A_529 : i32
        %and3A_531 = arith.andi %ne3A_527, %ne3A_530 : i1
        %sub3A_532 = arith.constant 1 : i32
        %sub3A_533 = arith.subi %div3A_512, %sub3A_532 : i32
        %select_n3A_534 = arith.select %and3A_531, %sub3A_533, %div3A_512 : i32
        %add3A_535 = arith.addi %mul3A_2, %add3A_509 : i32
        %add3A_536 = arith.addi %mul3A_2, %add3A_509 : i32
        %jit3A_537 = arith.constant 128 : i32
        %div3A_538 = arith.divsi %add3A_536, %jit3A_537 : i32
        %sign3A_539 = arith.constant 0 : i32
        %sign3A_540 = arith.cmpi sgt, %add3A_536, %sign3A_539 : i32
        %sign3A_541 = arith.extui %sign3A_540 : i1 to i32
        %sign3A_542 = arith.constant 0 : i32
        %sign3A_543 = arith.cmpi slt, %add3A_536, %sign3A_542 : i32
        %sign3A_544 = arith.extui %sign3A_543 : i1 to i32
        %sign3A_545 = arith.subi %sign3A_541, %sign3A_544 : i32
        %sign3A_546 = arith.constant 0 : i32
        %sign3A_547 = arith.cmpi sgt, %jit3A_537, %sign3A_546 : i32
        %sign3A_548 = arith.extui %sign3A_547 : i1 to i32
        %sign3A_549 = arith.constant 0 : i32
        %sign3A_550 = arith.cmpi slt, %jit3A_537, %sign3A_549 : i32
        %sign3A_551 = arith.extui %sign3A_550 : i1 to i32
        %sign3A_552 = arith.subi %sign3A_548, %sign3A_551 : i32
        %ne3A_553 = arith.cmpi ne, %sign3A_545, %sign3A_552 : i32
        %rem3A_554 = arith.remsi %add3A_536, %jit3A_537 : i32
        %ne3A_555 = arith.constant 0 : i32
        %ne3A_556 = arith.cmpi ne, %rem3A_554, %ne3A_555 : i32
        %and3A_557 = arith.andi %ne3A_553, %ne3A_556 : i1
        %sub3A_558 = arith.constant 1 : i32
        %sub3A_559 = arith.subi %div3A_538, %sub3A_558 : i32
        %select_n3A_560 = arith.select %and3A_557, %sub3A_559, %div3A_538 : i32
        %mul3A_561 = arith.constant 128 : i32
        %mul3A_562 = arith.muli %mul3A_561, %select_n3A_560 : i32
        %sub3A_563 = arith.subi %add3A_535, %mul3A_562 : i32
        %mul3A_564 = arith.constant 128 : i32
        %mul3A_565 = arith.muli %sub3A_563, %mul3A_564 : i32
        "tpu.region"() ({
          %run_scoped3A = tpu.sem_alloc : memref<!tpu.dma_semaphore, #tpu.memory_space<semaphore_mem>>
          %dma_start3A_691 = tpu.memref_slice %arg3[%select_n3A_534, %mul3A_565] : memref<20x16384xi32, #tpu.memory_space<hbm>> -> memref<1x128xi32, #tpu.memory_space<hbm>>
          %dma_start3A_692 = tpu.memref_squeeze %dma_start3A_691 : memref<1x128xi32, #tpu.memory_space<hbm>> -> memref<128xi32, #tpu.memory_space<hbm>>
          %dma_start3A_693 = tpu.memref_slice %arg3[%select_n3A_534, %mul3A_565] : memref<20x16384xi32, #tpu.memory_space<hbm>> -> memref<1x128xi32, #tpu.memory_space<hbm>>
          %dma_start3A_694 = tpu.memref_squeeze %dma_start3A_693 : memref<1x128xi32, #tpu.memory_space<hbm>> -> memref<128xi32, #tpu.memory_space<hbm>>
          tpu.enqueue_dma source(%dma_start3A_694 : memref<128xi32, #tpu.memory_space<hbm>>) target(%arg5 : memref<128xi32, #tpu.memory_space<vmem>>) target_semaphore(%run_scoped3A : memref<!tpu.dma_semaphore, #tpu.memory_space<semaphore_mem>>)
          %dma_wait3A_695 = tpu.memref_slice %arg3[%select_n3A_534, %mul3A_565] : memref<20x16384xi32, #tpu.memory_space<hbm>> -> memref<1x128xi32, #tpu.memory_space<hbm>>
          %dma_wait3A_696 = tpu.memref_squeeze %dma_wait3A_695 : memref<1x128xi32, #tpu.memory_space<hbm>> -> memref<128xi32, #tpu.memory_space<hbm>>
          %dma_wait3A_697 = tpu.memref_slice %arg3[%select_n3A_534, %mul3A_565] : memref<20x16384xi32, #tpu.memory_space<hbm>> -> memref<1x128xi32, #tpu.memory_space<hbm>>
          %dma_wait3A_698 = tpu.memref_squeeze %dma_wait3A_697 : memref<1x128xi32, #tpu.memory_space<hbm>> -> memref<128xi32, #tpu.memory_space<hbm>>
          tpu.wait_dma2 semaphore(%run_scoped3A : memref<!tpu.dma_semaphore, #tpu.memory_space<semaphore_mem>>) src(%dma_wait3A_698 : memref<128xi32, #tpu.memory_space<hbm>>) dst(%arg5 : memref<128xi32, #tpu.memory_space<vmem>>)
          tpu.yield
        }) : () -> ()
        %get3A_566 = arith.constant 0 : index
        %get3A_567 = tpu.vector_load %arg5[%get3A_566] {strides = array<i32>} : memref<128xi32, #tpu.memory_space<vmem>>, vector<16xi32>,
        %shift_right_arithmetic3A_568 = arith.constant 1 : i32
        %shift_right_arithmetic3A_569 = vector.broadcast %shift_right_arithmetic3A_568 : i32 to vector<16xi32>
        %shift_right_arithmetic3A_570 = arith.shrsi %get3A_567, %shift_right_arithmetic3A_569 : vector<16xi32>
        %swap3A_571 = arith.constant 0 : index
        %swap3A_572 = tpu.vector_load %arg7[%swap3A_571] {strides = array<i32>} : memref<128xi32, #tpu.memory_space<vmem>>, vector<16xi32>,
        tpu.vector_store %arg7[%swap3A_571], %shift_right_arithmetic3A_570 {strides = array<i32>} : memref<128xi32, #tpu.memory_space<vmem>>, vector<16xi32>,
        %and3A_573 = arith.constant 1 : i32
        %and3A_574 = vector.broadcast %and3A_573 : i32 to vector<16xi32>
        %and3A_575 = arith.andi %get3A_567, %and3A_574 : vector<16xi32>
        %mul3A_576 = arith.constant 64 : i32
        %mul3A_577 = vector.broadcast %mul3A_576 : i32 to vector<16xi32>
        %mul3A_578 = arith.muli %and3A_575, %mul3A_577 : vector<16xi32>
        %swap3A_579 = arith.constant 0 : index
        %swap3A_580 = tpu.vector_load %arg9[%swap3A_579] {strides = array<i32>} : memref<128xi32, #tpu.memory_space<vmem>>, vector<16xi32>,
        tpu.vector_store %arg9[%swap3A_579], %mul3A_578 {strides = array<i32>} : memref<128xi32, #tpu.memory_space<vmem>>, vector<16xi32>,
        %get3A_581 = arith.constant 16 : index
        %get3A_582 = tpu.vector_load %arg5[%get3A_581] {strides = array<i32>} : memref<128xi32, #tpu.memory_space<vmem>>, vector<16xi32>,
        %shift_right_arithmetic3A_583 = arith.constant 1 : i32
        %shift_right_arithmetic3A_584 = vector.broadcast %shift_right_arithmetic3A_583 : i32 to vector<16xi32>
        %shift_right_arithmetic3A_585 = arith.shrsi %get3A_582, %shift_right_arithmetic3A_584 : vector<16xi32>
        %swap3A_586 = arith.constant 16 : index
        %swap3A_587 = tpu.vector_load %arg7[%swap3A_586] {strides = array<i32>} : memref<128xi32, #tpu.memory_space<vmem>>, vector<16xi32>,
        tpu.vector_store %arg7[%swap3A_586], %shift_right_arithmetic3A_585 {strides = array<i32>} : memref<128xi32, #tpu.memory_space<vmem>>, vector<16xi32>,
        %and3A_588 = arith.constant 1 : i32
        %and3A_589 = vector.broadcast %and3A_588 : i32 to vector<16xi32>
        %and3A_590 = arith.andi %get3A_582, %and3A_589 : vector<16xi32>
        %mul3A_591 = arith.constant 64 : i32
        %mul3A_592 = vector.broadcast %mul3A_591 : i32 to vector<16xi32>
        %mul3A_593 = arith.muli %and3A_590, %mul3A_592 : vector<16xi32>
        %swap3A_594 = arith.constant 16 : index
        %swap3A_595 = tpu.vector_load %arg9[%swap3A_594] {strides = array<i32>} : memref<128xi32, #tpu.memory_space<vmem>>, vector<16xi32>,
        tpu.vector_store %arg9[%swap3A_594], %mul3A_593 {strides = array<i32>} : memref<128xi32, #tpu.memory_space<vmem>>, vector<16xi32>,
        %get3A_596 = arith.constant 32 : index
        %get3A_597 = tpu.vector_load %arg5[%get3A_596] {strides = array<i32>} : memref<128xi32, #tpu.memory_space<vmem>>, vector<16xi32>,
        %shift_right_arithmetic3A_598 = arith.constant 1 : i32
        %shift_right_arithmetic3A_599 = vector.broadcast %shift_right_arithmetic3A_598 : i32 to vector<16xi32>
        %shift_right_arithmetic3A_600 = arith.shrsi %get3A_597, %shift_right_arithmetic3A_599 : vector<16xi32>
        %swap3A_601 = arith.constant 32 : index
        %swap3A_602 = tpu.vector_load %arg7[%swap3A_601] {strides = array<i32>} : memref<128xi32, #tpu.memory_space<vmem>>, vector<16xi32>,
        tpu.vector_store %arg7[%swap3A_601], %shift_right_arithmetic3A_600 {strides = array<i32>} : memref<128xi32, #tpu.memory_space<vmem>>, vector<16xi32>,
        %and3A_603 = arith.constant 1 : i32
        %and3A_604 = vector.broadcast %and3A_603 : i32 to vector<16xi32>
        %and3A_605 = arith.andi %get3A_597, %and3A_604 : vector<16xi32>
        %mul3A_606 = arith.constant 64 : i32
        %mul3A_607 = vector.broadcast %mul3A_606 : i32 to vector<16xi32>
        %mul3A_608 = arith.muli %and3A_605, %mul3A_607 : vector<16xi32>
        %swap3A_609 = arith.constant 32 : index
        %swap3A_610 = tpu.vector_load %arg9[%swap3A_609] {strides = array<i32>} : memref<128xi32, #tpu.memory_space<vmem>>, vector<16xi32>,
        tpu.vector_store %arg9[%swap3A_609], %mul3A_608 {strides = array<i32>} : memref<128xi32, #tpu.memory_space<vmem>>, vector<16xi32>,
        %get3A_611 = arith.constant 48 : index
        %get3A_612 = tpu.vector_load %arg5[%get3A_611] {strides = array<i32>} : memref<128xi32, #tpu.memory_space<vmem>>, vector<16xi32>,
        %shift_right_arithmetic3A_613 = arith.constant 1 : i32
        %shift_right_arithmetic3A_614 = vector.broadcast %shift_right_arithmetic3A_613 : i32 to vector<16xi32>
        %shift_right_arithmetic3A_615 = arith.shrsi %get3A_612, %shift_right_arithmetic3A_614 : vector<16xi32>
        %swap3A_616 = arith.constant 48 : index
        %swap3A_617 = tpu.vector_load %arg7[%swap3A_616] {strides = array<i32>} : memref<128xi32, #tpu.memory_space<vmem>>, vector<16xi32>,
        tpu.vector_store %arg7[%swap3A_616], %shift_right_arithmetic3A_615 {strides = array<i32>} : memref<128xi32, #tpu.memory_space<vmem>>, vector<16xi32>,
        %and3A_618 = arith.constant 1 : i32
        %and3A_619 = vector.broadcast %and3A_618 : i32 to vector<16xi32>
        %and3A_620 = arith.andi %get3A_612, %and3A_619 : vector<16xi32>
        %mul3A_621 = arith.constant 64 : i32
        %mul3A_622 = vector.broadcast %mul3A_621 : i32 to vector<16xi32>
        %mul3A_623 = arith.muli %and3A_620, %mul3A_622 : vector<16xi32>
        %swap3A_624 = arith.constant 48 : index
        %swap3A_625 = tpu.vector_load %arg9[%swap3A_624] {strides = array<i32>} : memref<128xi32, #tpu.memory_space<vmem>>, vector<16xi32>,
        tpu.vector_store %arg9[%swap3A_624], %mul3A_623 {strides = array<i32>} : memref<128xi32, #tpu.memory_space<vmem>>, vector<16xi32>,
        %get3A_626 = arith.constant 64 : index
        %get3A_627 = tpu.vector_load %arg5[%get3A_626] {strides = array<i32>} : memref<128xi32, #tpu.memory_space<vmem>>, vector<16xi32>,
        %shift_right_arithmetic3A_628 = arith.constant 1 : i32
        %shift_right_arithmetic3A_629 = vector.broadcast %shift_right_arithmetic3A_628 : i32 to vector<16xi32>
        %shift_right_arithmetic3A_630 = arith.shrsi %get3A_627, %shift_right_arithmetic3A_629 : vector<16xi32>
        %swap3A_631 = arith.constant 64 : index
        %swap3A_632 = tpu.vector_load %arg7[%swap3A_631] {strides = array<i32>} : memref<128xi32, #tpu.memory_space<vmem>>, vector<16xi32>,
        tpu.vector_store %arg7[%swap3A_631], %shift_right_arithmetic3A_630 {strides = array<i32>} : memref<128xi32, #tpu.memory_space<vmem>>, vector<16xi32>,
        %and3A_633 = arith.constant 1 : i32
        %and3A_634 = vector.broadcast %and3A_633 : i32 to vector<16xi32>
        %and3A_635 = arith.andi %get3A_627, %and3A_634 : vector<16xi32>
        %mul3A_636 = arith.constant 64 : i32
        %mul3A_637 = vector.broadcast %mul3A_636 : i32 to vector<16xi32>
        %mul3A_638 = arith.muli %and3A_635, %mul3A_637 : vector<16xi32>
        %swap3A_639 = arith.constant 64 : index
        %swap3A_640 = tpu.vector_load %arg9[%swap3A_639] {strides = array<i32>} : memref<128xi32, #tpu.memory_space<vmem>>, vector<16xi32>,
        tpu.vector_store %arg9[%swap3A_639], %mul3A_638 {strides = array<i32>} : memref<128xi32, #tpu.memory_space<vmem>>, vector<16xi32>,
        %get3A_641 = arith.constant 80 : index
        %get3A_642 = tpu.vector_load %arg5[%get3A_641] {strides = array<i32>} : memref<128xi32, #tpu.memory_space<vmem>>, vector<16xi32>,
        %shift_right_arithmetic3A_643 = arith.constant 1 : i32
        %shift_right_arithmetic3A_644 = vector.broadcast %shift_right_arithmetic3A_643 : i32 to vector<16xi32>
        %shift_right_arithmetic3A_645 = arith.shrsi %get3A_642, %shift_right_arithmetic3A_644 : vector<16xi32>
        %swap3A_646 = arith.constant 80 : index
        %swap3A_647 = tpu.vector_load %arg7[%swap3A_646] {strides = array<i32>} : memref<128xi32, #tpu.memory_space<vmem>>, vector<16xi32>,
        tpu.vector_store %arg7[%swap3A_646], %shift_right_arithmetic3A_645 {strides = array<i32>} : memref<128xi32, #tpu.memory_space<vmem>>, vector<16xi32>,
        %and3A_648 = arith.constant 1 : i32
        %and3A_649 = vector.broadcast %and3A_648 : i32 to vector<16xi32>
        %and3A_650 = arith.andi %get3A_642, %and3A_649 : vector<16xi32>
        %mul3A_651 = arith.constant 64 : i32
        %mul3A_652 = vector.broadcast %mul3A_651 : i32 to vector<16xi32>
        %mul3A_653 = arith.muli %and3A_650, %mul3A_652 : vector<16xi32>
        %swap3A_654 = arith.constant 80 : index
        %swap3A_655 = tpu.vector_load %arg9[%swap3A_654] {strides = array<i32>} : memref<128xi32, #tpu.memory_space<vmem>>, vector<16xi32>,
        tpu.vector_store %arg9[%swap3A_654], %mul3A_653 {strides = array<i32>} : memref<128xi32, #tpu.memory_space<vmem>>, vector<16xi32>,
        %get3A_656 = arith.constant 96 : index
        %get3A_657 = tpu.vector_load %arg5[%get3A_656] {strides = array<i32>} : memref<128xi32, #tpu.memory_space<vmem>>, vector<16xi32>,
        %shift_right_arithmetic3A_658 = arith.constant 1 : i32
        %shift_right_arithmetic3A_659 = vector.broadcast %shift_right_arithmetic3A_658 : i32 to vector<16xi32>
        %shift_right_arithmetic3A_660 = arith.shrsi %get3A_657, %shift_right_arithmetic3A_659 : vector<16xi32>
        %swap3A_661 = arith.constant 96 : index
        %swap3A_662 = tpu.vector_load %arg7[%swap3A_661] {strides = array<i32>} : memref<128xi32, #tpu.memory_space<vmem>>, vector<16xi32>,
        tpu.vector_store %arg7[%swap3A_661], %shift_right_arithmetic3A_660 {strides = array<i32>} : memref<128xi32, #tpu.memory_space<vmem>>, vector<16xi32>,
        %and3A_663 = arith.constant 1 : i32
        %and3A_664 = vector.broadcast %and3A_663 : i32 to vector<16xi32>
        %and3A_665 = arith.andi %get3A_657, %and3A_664 : vector<16xi32>
        %mul3A_666 = arith.constant 64 : i32
        %mul3A_667 = vector.broadcast %mul3A_666 : i32 to vector<16xi32>
        %mul3A_668 = arith.muli %and3A_665, %mul3A_667 : vector<16xi32>
        %swap3A_669 = arith.constant 96 : index
        %swap3A_670 = tpu.vector_load %arg9[%swap3A_669] {strides = array<i32>} : memref<128xi32, #tpu.memory_space<vmem>>, vector<16xi32>,
        tpu.vector_store %arg9[%swap3A_669], %mul3A_668 {strides = array<i32>} : memref<128xi32, #tpu.memory_space<vmem>>, vector<16xi32>,
        %get3A_671 = arith.constant 112 : index
        %get3A_672 = tpu.vector_load %arg5[%get3A_671] {strides = array<i32>} : memref<128xi32, #tpu.memory_space<vmem>>, vector<16xi32>,
        %shift_right_arithmetic3A_673 = arith.constant 1 : i32
        %shift_right_arithmetic3A_674 = vector.broadcast %shift_right_arithmetic3A_673 : i32 to vector<16xi32>
        %shift_right_arithmetic3A_675 = arith.shrsi %get3A_672, %shift_right_arithmetic3A_674 : vector<16xi32>
        %swap3A_676 = arith.constant 112 : index
        %swap3A_677 = tpu.vector_load %arg7[%swap3A_676] {strides = array<i32>} : memref<128xi32, #tpu.memory_space<vmem>>, vector<16xi32>,
        tpu.vector_store %arg7[%swap3A_676], %shift_right_arithmetic3A_675 {strides = array<i32>} : memref<128xi32, #tpu.memory_space<vmem>>, vector<16xi32>,
        %and3A_678 = arith.constant 1 : i32
        %and3A_679 = vector.broadcast %and3A_678 : i32 to vector<16xi32>
        %and3A_680 = arith.andi %get3A_672, %and3A_679 : vector<16xi32>
        %mul3A_681 = arith.constant 64 : i32
        %mul3A_682 = vector.broadcast %mul3A_681 : i32 to vector<16xi32>
        %mul3A_683 = arith.muli %and3A_680, %mul3A_682 : vector<16xi32>
        %swap3A_684 = arith.constant 112 : index
        %swap3A_685 = tpu.vector_load %arg9[%swap3A_684] {strides = array<i32>} : memref<128xi32, #tpu.memory_space<vmem>>, vector<16xi32>,
        tpu.vector_store %arg9[%swap3A_684], %mul3A_683 {strides = array<i32>} : memref<128xi32, #tpu.memory_space<vmem>>, vector<16xi32>,
        %add3A_686 = arith.constant 1 : i32
        %add3A_687 = arith.addi %mul3A_309, %add3A_686 : i32
        %dma_start3A_688 = arith.constant 0 : i32
        %dma_start3A_689 = arith.constant 0 : i32
        %dma_start3A_690 = tpu.memref_slice %arg2[%dma_start3A_688, %dma_start3A_689] : memref<500032x128xf32, #tpu.memory_space<hbm>> -> memref<500032x128xf32, #tpu.memory_space<hbm>>
        tpu.enqueue_indirect_dma source(%dma_start3A_690 : memref<500032x128xf32, #tpu.memory_space<hbm>>) target(%arg11 : memref<128x128xf32, #tpu.memory_space<vmem>>) offsets(%arg7 : memref<128xi32, #tpu.memory_space<vmem>>) semaphore(%arg15 : memref<!tpu.dma_semaphore, #tpu.memory_space<semaphore_mem>>)
      } else {
      }
      %dma_wait3A_314 = arith.constant 0 : i32
      %dma_wait3A_315 = arith.constant 0 : i32
      %dma_wait3A_316 = tpu.memref_slice %arg2[%dma_wait3A_314, %dma_wait3A_315] : memref<500032x128xf32, #tpu.memory_space<hbm>> -> memref<500032x128xf32, #tpu.memory_space<hbm>>
      tpu.wait_indirect_dma semaphore(%arg14 : memref<!tpu.dma_semaphore, #tpu.memory_space<semaphore_mem>>) src(%dma_wait3A_316 : memref<500032x128xf32, #tpu.memory_space<hbm>>) dst(%arg10 : memref<128x128xf32, #tpu.memory_space<vmem>>)
      %ge3A = arith.constant 2 : i32
      %ge3A_317 = arith.cmpi sge, %mul3A_309, %ge3A : i32
      %convert_element_type3A_318 = arith.extui %ge3A_317 : i1 to i32
      %cond3A_319 = arith.constant 0 : i32
      %cond3A_320 = arith.cmpi ne, %convert_element_type3A_318, %cond3A_319 : i32
      scf.if %cond3A_320 {
        %sub3A_508 = arith.constant 2 : i32
        %sub3A_509 = arith.subi %mul3A_309, %sub3A_508 : i32
        %add3A_510 = arith.addi %mul3A_2, %sub3A_509 : i32
        %jit3A_511 = arith.constant 128 : i32
        %div3A_512 = arith.divsi %add3A_510, %jit3A_511 : i32
        %sign3A_513 = arith.constant 0 : i32
        %sign3A_514 = arith.cmpi sgt, %add3A_510, %sign3A_513 : i32
        %sign3A_515 = arith.extui %sign3A_514 : i1 to i32
        %sign3A_516 = arith.constant 0 : i32
        %sign3A_517 = arith.cmpi slt, %add3A_510, %sign3A_516 : i32
        %sign3A_518 = arith.extui %sign3A_517 : i1 to i32
        %sign3A_519 = arith.subi %sign3A_515, %sign3A_518 : i32
        %sign3A_520 = arith.constant 0 : i32
        %sign3A_521 = arith.cmpi sgt, %jit3A_511, %sign3A_520 : i32
        %sign3A_522 = arith.extui %sign3A_521 : i1 to i32
        %sign3A_523 = arith.constant 0 : i32
        %sign3A_524 = arith.cmpi slt, %jit3A_511, %sign3A_523 : i32
        %sign3A_525 = arith.extui %sign3A_524 : i1 to i32
        %sign3A_526 = arith.subi %sign3A_522, %sign3A_525 : i32
        %ne3A_527 = arith.cmpi ne, %sign3A_519, %sign3A_526 : i32
        %rem3A_528 = arith.remsi %add3A_510, %jit3A_511 : i32
        %ne3A_529 = arith.constant 0 : i32
        %ne3A_530 = arith.cmpi ne, %rem3A_528, %ne3A_529 : i32
        %and3A_531 = arith.andi %ne3A_527, %ne3A_530 : i1
        %sub3A_532 = arith.constant 1 : i32
        %sub3A_533 = arith.subi %div3A_512, %sub3A_532 : i32
        %select_n3A_534 = arith.select %and3A_531, %sub3A_533, %div3A_512 : i32
        %add3A_535 = arith.addi %mul3A_2, %sub3A_509 : i32
        %add3A_536 = arith.addi %mul3A_2, %sub3A_509 : i32
        %jit3A_537 = arith.constant 128 : i32
        %div3A_538 = arith.divsi %add3A_536, %jit3A_537 : i32
        %sign3A_539 = arith.constant 0 : i32
        %sign3A_540 = arith.cmpi sgt, %add3A_536, %sign3A_539 : i32
        %sign3A_541 = arith.extui %sign3A_540 : i1 to i32
        %sign3A_542 = arith.constant 0 : i32
        %sign3A_543 = arith.cmpi slt, %add3A_536, %sign3A_542 : i32
        %sign3A_544 = arith.extui %sign3A_543 : i1 to i32
        %sign3A_545 = arith.subi %sign3A_541, %sign3A_544 : i32
        %sign3A_546 = arith.constant 0 : i32
        %sign3A_547 = arith.cmpi sgt, %jit3A_537, %sign3A_546 : i32
        %sign3A_548 = arith.extui %sign3A_547 : i1 to i32
        %sign3A_549 = arith.constant 0 : i32
        %sign3A_550 = arith.cmpi slt, %jit3A_537, %sign3A_549 : i32
        %sign3A_551 = arith.extui %sign3A_550 : i1 to i32
        %sign3A_552 = arith.subi %sign3A_548, %sign3A_551 : i32
        %ne3A_553 = arith.cmpi ne, %sign3A_545, %sign3A_552 : i32
        %rem3A_554 = arith.remsi %add3A_536, %jit3A_537 : i32
        %ne3A_555 = arith.constant 0 : i32
        %ne3A_556 = arith.cmpi ne, %rem3A_554, %ne3A_555 : i32
        %and3A_557 = arith.andi %ne3A_553, %ne3A_556 : i1
        %sub3A_558 = arith.constant 1 : i32
        %sub3A_559 = arith.subi %div3A_538, %sub3A_558 : i32
        %select_n3A_560 = arith.select %and3A_557, %sub3A_559, %div3A_538 : i32
        %mul3A_561 = arith.constant 128 : i32
        %mul3A_562 = arith.muli %mul3A_561, %select_n3A_560 : i32
        %sub3A_563 = arith.subi %add3A_535, %mul3A_562 : i32
        %mul3A_564 = arith.constant 128 : i32
        %mul3A_565 = arith.muli %sub3A_563, %mul3A_564 : i32
        %dma_wait3A_566 = arith.constant 0 : i32
        %dma_wait3A_567 = tpu.memref_slice %arg4[%select_n3A_534, %dma_wait3A_566, %mul3A_565] : memref<20x64x16384xf32, #tpu.memory_space<hbm>> -> memref<1x64x128xf32, #tpu.memory_space<hbm>>
        %dma_wait3A_568 = tpu.memref_squeeze %dma_wait3A_567 : memref<1x64x128xf32, #tpu.memory_space<hbm>> -> memref<64x128xf32, #tpu.memory_space<hbm>>
        %dma_wait3A_569 = arith.constant 0 : i32
        %dma_wait3A_570 = tpu.memref_slice %arg4[%select_n3A_534, %dma_wait3A_569, %mul3A_565] : memref<20x64x16384xf32, #tpu.memory_space<hbm>> -> memref<1x64x128xf32, #tpu.memory_space<hbm>>
        %dma_wait3A_571 = tpu.memref_squeeze %dma_wait3A_570 : memref<1x64x128xf32, #tpu.memory_space<hbm>> -> memref<64x128xf32, #tpu.memory_space<hbm>>
        tpu.wait_dma2 semaphore(%arg16 : memref<!tpu.dma_semaphore, #tpu.memory_space<semaphore_mem>>) src(%arg12 : memref<64x128xf32, #tpu.memory_space<vmem>>) dst(%dma_wait3A_571 : memref<64x128xf32, #tpu.memory_space<hbm>>)
      } else {
      }
      %get3A_321 = arith.constant 0 : index
      %get3A_322 = tpu.vector_load %arg8[%get3A_321] {strides = array<i32>} : memref<128xi32, #tpu.memory_space<vmem>>, vector<16xi32>,
      %get3A_323 = arith.constant 16 : index
      %get3A_324 = tpu.vector_load %arg8[%get3A_323] {strides = array<i32>} : memref<128xi32, #tpu.memory_space<vmem>>, vector<16xi32>,
      %get3A_325 = arith.constant 32 : index
      %get3A_326 = tpu.vector_load %arg8[%get3A_325] {strides = array<i32>} : memref<128xi32, #tpu.memory_space<vmem>>, vector<16xi32>,
      %get3A_327 = arith.constant 48 : index
      %get3A_328 = tpu.vector_load %arg8[%get3A_327] {strides = array<i32>} : memref<128xi32, #tpu.memory_space<vmem>>, vector<16xi32>,
      %get3A_329 = arith.constant 64 : index
      %get3A_330 = tpu.vector_load %arg8[%get3A_329] {strides = array<i32>} : memref<128xi32, #tpu.memory_space<vmem>>, vector<16xi32>,
      %get3A_331 = arith.constant 80 : index
      %get3A_332 = tpu.vector_load %arg8[%get3A_331] {strides = array<i32>} : memref<128xi32, #tpu.memory_space<vmem>>, vector<16xi32>,
      %get3A_333 = arith.constant 96 : index
      %get3A_334 = tpu.vector_load %arg8[%get3A_333] {strides = array<i32>} : memref<128xi32, #tpu.memory_space<vmem>>, vector<16xi32>,
      %get3A_335 = arith.constant 112 : index
      %get3A_336 = tpu.vector_load %arg8[%get3A_335] {strides = array<i32>} : memref<128xi32, #tpu.memory_space<vmem>>, vector<16xi32>,
      %scan3A_337 = arith.constant 0 : i32
      %scan3A_338 = arith.constant 0 : i32
      %scan3A_339 = arith.constant 64 : i32
      %scan3A_340 = arith.addi %scan3A_338, %scan3A_339 : i32
      %scan3A_341 = arith.constant 1 : i32
      scf.for %scan3A_508 = %scan3A_338 to %scan3A_340 step %scan3A_341  : i32 {
        %add3A_509 = vector.broadcast %scan3A_508 : i32 to vector<16xi32>
        %add3A_510 = arith.addi %get3A_322, %add3A_509 : vector<16xi32>
        %add3A_511 = arith.constant 0 : i32
        %add3A_512 = vector.broadcast %add3A_511 : i32 to vector<16xi32>
        %add3A_513 = arith.addi %iota3A, %add3A_512 : vector<16xi32>
        %gather3A = tpu.vector_load_idx %arg10[%add3A_513, %add3A_510] : memref<128x128xf32, #tpu.memory_space<vmem>>[vector<16xi32>, vector<16xi32>], vector<16xf32>,
        %mul3A_514 = arith.constant 8.000000e+00 : f32
        %mul3A_515 = vector.broadcast %mul3A_514 : f32 to vector<16xf32>
        %mul3A_516 = arith.mulf %gather3A, %mul3A_515 : vector<16xf32>
        %swap3A_517 = arith.index_cast %scan3A_508 : i32 to index
        %swap3A_518 = arith.constant 0 : index
        %swap3A_519 = tpu.vector_load %arg12[%swap3A_517, %swap3A_518] {strides = array<i32>} : memref<64x128xf32, #tpu.memory_space<vmem>>, vector<16xf32>,
        tpu.vector_store %arg12[%swap3A_517, %swap3A_518], %mul3A_516 {strides = array<i32>} : memref<64x128xf32, #tpu.memory_space<vmem>>, vector<16xf32>,
        %add3A_520 = vector.broadcast %scan3A_508 : i32 to vector<16xi32>
        %add3A_521 = arith.addi %get3A_324, %add3A_520 : vector<16xi32>
        %add3A_522 = arith.constant 16 : i32
        %add3A_523 = vector.broadcast %add3A_522 : i32 to vector<16xi32>
        %add3A_524 = arith.addi %iota3A, %add3A_523 : vector<16xi32>
        %gather3A_525 = tpu.vector_load_idx %arg10[%add3A_524, %add3A_521] : memref<128x128xf32, #tpu.memory_space<vmem>>[vector<16xi32>, vector<16xi32>], vector<16xf32>,
        %mul3A_526 = arith.constant 8.000000e+00 : f32
        %mul3A_527 = vector.broadcast %mul3A_526 : f32 to vector<16xf32>
        %mul3A_528 = arith.mulf %gather3A_525, %mul3A_527 : vector<16xf32>
        %swap3A_529 = arith.index_cast %scan3A_508 : i32 to index
        %swap3A_530 = arith.constant 16 : index
        %swap3A_531 = tpu.vector_load %arg12[%swap3A_529, %swap3A_530] {strides = array<i32>} : memref<64x128xf32, #tpu.memory_space<vmem>>, vector<16xf32>,
        tpu.vector_store %arg12[%swap3A_529, %swap3A_530], %mul3A_528 {strides = array<i32>} : memref<64x128xf32, #tpu.memory_space<vmem>>, vector<16xf32>,
        %add3A_532 = vector.broadcast %scan3A_508 : i32 to vector<16xi32>
        %add3A_533 = arith.addi %get3A_326, %add3A_532 : vector<16xi32>
        %add3A_534 = arith.constant 32 : i32
        %add3A_535 = vector.broadcast %add3A_534 : i32 to vector<16xi32>
        %add3A_536 = arith.addi %iota3A, %add3A_535 : vector<16xi32>
        %gather3A_537 = tpu.vector_load_idx %arg10[%add3A_536, %add3A_533] : memref<128x128xf32, #tpu.memory_space<vmem>>[vector<16xi32>, vector<16xi32>], vector<16xf32>,
        %mul3A_538 = arith.constant 8.000000e+00 : f32
        %mul3A_539 = vector.broadcast %mul3A_538 : f32 to vector<16xf32>
        %mul3A_540 = arith.mulf %gather3A_537, %mul3A_539 : vector<16xf32>
        %swap3A_541 = arith.index_cast %scan3A_508 : i32 to index
        %swap3A_542 = arith.constant 32 : index
        %swap3A_543 = tpu.vector_load %arg12[%swap3A_541, %swap3A_542] {strides = array<i32>} : memref<64x128xf32, #tpu.memory_space<vmem>>, vector<16xf32>,
        tpu.vector_store %arg12[%swap3A_541, %swap3A_542], %mul3A_540 {strides = array<i32>} : memref<64x128xf32, #tpu.memory_space<vmem>>, vector<16xf32>,
        %add3A_544 = vector.broadcast %scan3A_508 : i32 to vector<16xi32>
        %add3A_545 = arith.addi %get3A_328, %add3A_544 : vector<16xi32>
        %add3A_546 = arith.constant 48 : i32
        %add3A_547 = vector.broadcast %add3A_546 : i32 to vector<16xi32>
        %add3A_548 = arith.addi %iota3A, %add3A_547 : vector<16xi32>
        %gather3A_549 = tpu.vector_load_idx %arg10[%add3A_548, %add3A_545] : memref<128x128xf32, #tpu.memory_space<vmem>>[vector<16xi32>, vector<16xi32>], vector<16xf32>,
        %mul3A_550 = arith.constant 8.000000e+00 : f32
        %mul3A_551 = vector.broadcast %mul3A_550 : f32 to vector<16xf32>
        %mul3A_552 = arith.mulf %gather3A_549, %mul3A_551 : vector<16xf32>
        %swap3A_553 = arith.index_cast %scan3A_508 : i32 to index
        %swap3A_554 = arith.constant 48 : index
        %swap3A_555 = tpu.vector_load %arg12[%swap3A_553, %swap3A_554] {strides = array<i32>} : memref<64x128xf32, #tpu.memory_space<vmem>>, vector<16xf32>,
        tpu.vector_store %arg12[%swap3A_553, %swap3A_554], %mul3A_552 {strides = array<i32>} : memref<64x128xf32, #tpu.memory_space<vmem>>, vector<16xf32>,
        %add3A_556 = vector.broadcast %scan3A_508 : i32 to vector<16xi32>
        %add3A_557 = arith.addi %get3A_330, %add3A_556 : vector<16xi32>
        %add3A_558 = arith.constant 64 : i32
        %add3A_559 = vector.broadcast %add3A_558 : i32 to vector<16xi32>
        %add3A_560 = arith.addi %iota3A, %add3A_559 : vector<16xi32>
        %gather3A_561 = tpu.vector_load_idx %arg10[%add3A_560, %add3A_557] : memref<128x128xf32, #tpu.memory_space<vmem>>[vector<16xi32>, vector<16xi32>], vector<16xf32>,
        %mul3A_562 = arith.constant 8.000000e+00 : f32
        %mul3A_563 = vector.broadcast %mul3A_562 : f32 to vector<16xf32>
        %mul3A_564 = arith.mulf %gather3A_561, %mul3A_563 : vector<16xf32>
        %swap3A_565 = arith.index_cast %scan3A_508 : i32 to index
        %swap3A_566 = arith.constant 64 : index
        %swap3A_567 = tpu.vector_load %arg12[%swap3A_565, %swap3A_566] {strides = array<i32>} : memref<64x128xf32, #tpu.memory_space<vmem>>, vector<16xf32>,
        tpu.vector_store %arg12[%swap3A_565, %swap3A_566], %mul3A_564 {strides = array<i32>} : memref<64x128xf32, #tpu.memory_space<vmem>>, vector<16xf32>,
        %add3A_568 = vector.broadcast %scan3A_508 : i32 to vector<16xi32>
        %add3A_569 = arith.addi %get3A_332, %add3A_568 : vector<16xi32>
        %add3A_570 = arith.constant 80 : i32
        %add3A_571 = vector.broadcast %add3A_570 : i32 to vector<16xi32>
        %add3A_572 = arith.addi %iota3A, %add3A_571 : vector<16xi32>
        %gather3A_573 = tpu.vector_load_idx %arg10[%add3A_572, %add3A_569] : memref<128x128xf32, #tpu.memory_space<vmem>>[vector<16xi32>, vector<16xi32>], vector<16xf32>,
        %mul3A_574 = arith.constant 8.000000e+00 : f32
        %mul3A_575 = vector.broadcast %mul3A_574 : f32 to vector<16xf32>
        %mul3A_576 = arith.mulf %gather3A_573, %mul3A_575 : vector<16xf32>
        %swap3A_577 = arith.index_cast %scan3A_508 : i32 to index
        %swap3A_578 = arith.constant 80 : index
        %swap3A_579 = tpu.vector_load %arg12[%swap3A_577, %swap3A_578] {strides = array<i32>} : memref<64x128xf32, #tpu.memory_space<vmem>>, vector<16xf32>,
        tpu.vector_store %arg12[%swap3A_577, %swap3A_578], %mul3A_576 {strides = array<i32>} : memref<64x128xf32, #tpu.memory_space<vmem>>, vector<16xf32>,
        %add3A_580 = vector.broadcast %scan3A_508 : i32 to vector<16xi32>
        %add3A_581 = arith.addi %get3A_334, %add3A_580 : vector<16xi32>
        %add3A_582 = arith.constant 96 : i32
        %add3A_583 = vector.broadcast %add3A_582 : i32 to vector<16xi32>
        %add3A_584 = arith.addi %iota3A, %add3A_583 : vector<16xi32>
        %gather3A_585 = tpu.vector_load_idx %arg10[%add3A_584, %add3A_581] : memref<128x128xf32, #tpu.memory_space<vmem>>[vector<16xi32>, vector<16xi32>], vector<16xf32>,
        %mul3A_586 = arith.constant 8.000000e+00 : f32
        %mul3A_587 = vector.broadcast %mul3A_586 : f32 to vector<16xf32>
        %mul3A_588 = arith.mulf %gather3A_585, %mul3A_587 : vector<16xf32>
        %swap3A_589 = arith.index_cast %scan3A_508 : i32 to index
        %swap3A_590 = arith.constant 96 : index
        %swap3A_591 = tpu.vector_load %arg12[%swap3A_589, %swap3A_590] {strides = array<i32>} : memref<64x128xf32, #tpu.memory_space<vmem>>, vector<16xf32>,
        tpu.vector_store %arg12[%swap3A_589, %swap3A_590], %mul3A_588 {strides = array<i32>} : memref<64x128xf32, #tpu.memory_space<vmem>>, vector<16xf32>,
        %add3A_592 = vector.broadcast %scan3A_508 : i32 to vector<16xi32>
        %add3A_593 = arith.addi %get3A_336, %add3A_592 : vector<16xi32>
        %add3A_594 = arith.constant 112 : i32
        %add3A_595 = vector.broadcast %add3A_594 : i32 to vector<16xi32>
        %add3A_596 = arith.addi %iota3A, %add3A_595 : vector<16xi32>
        %gather3A_597 = tpu.vector_load_idx %arg10[%add3A_596, %add3A_593] : memref<128x128xf32, #tpu.memory_space<vmem>>[vector<16xi32>, vector<16xi32>], vector<16xf32>,
        %mul3A_598 = arith.constant 8.000000e+00 : f32
        %mul3A_599 = vector.broadcast %mul3A_598 : f32 to vector<16xf32>
        %mul3A_600 = arith.mulf %gather3A_597, %mul3A_599 : vector<16xf32>
        %swap3A_601 = arith.index_cast %scan3A_508 : i32 to index
        %swap3A_602 = arith.constant 112 : index
        %swap3A_603 = tpu.vector_load %arg12[%swap3A_601, %swap3A_602] {strides = array<i32>} : memref<64x128xf32, #tpu.memory_space<vmem>>, vector<16xf32>,
        tpu.vector_store %arg12[%swap3A_601, %swap3A_602], %mul3A_600 {strides = array<i32>} : memref<64x128xf32, #tpu.memory_space<vmem>>, vector<16xf32>,
      }
      %scan3A_342 = arith.constant 64 : i32
      %add3A_343 = arith.addi %mul3A_2, %mul3A_309 : i32
      %jit3A_344 = arith.constant 128 : i32
      %div3A_345 = arith.divsi %add3A_343, %jit3A_344 : i32
      %sign3A_346 = arith.constant 0 : i32
      %sign3A_347 = arith.cmpi sgt, %add3A_343, %sign3A_346 : i32
      %sign3A_348 = arith.extui %sign3A_347 : i1 to i32
      %sign3A_349 = arith.constant 0 : i32
      %sign3A_350 = arith.cmpi slt, %add3A_343, %sign3A_349 : i32
      %sign3A_351 = arith.extui %sign3A_350 : i1 to i32
      %sign3A_352 = arith.subi %sign3A_348, %sign3A_351 : i32
      %sign3A_353 = arith.constant 0 : i32
      %sign3A_354 = arith.cmpi sgt, %jit3A_344, %sign3A_353 : i32
      %sign3A_355 = arith.extui %sign3A_354 : i1 to i32
      %sign3A_356 = arith.constant 0 : i32
      %sign3A_357 = arith.cmpi slt, %jit3A_344, %sign3A_356 : i32
      %sign3A_358 = arith.extui %sign3A_357 : i1 to i32
      %sign3A_359 = arith.subi %sign3A_355, %sign3A_358 : i32
      %ne3A_360 = arith.cmpi ne, %sign3A_352, %sign3A_359 : i32
      %rem3A_361 = arith.remsi %add3A_343, %jit3A_344 : i32
      %ne3A_362 = arith.constant 0 : i32
      %ne3A_363 = arith.cmpi ne, %rem3A_361, %ne3A_362 : i32
      %and3A_364 = arith.andi %ne3A_360, %ne3A_363 : i1
      %sub3A_365 = arith.constant 1 : i32
      %sub3A_366 = arith.subi %div3A_345, %sub3A_365 : i32
      %select_n3A_367 = arith.select %and3A_364, %sub3A_366, %div3A_345 : i32
      %add3A_368 = arith.addi %mul3A_2, %mul3A_309 : i32
      %add3A_369 = arith.addi %mul3A_2, %mul3A_309 : i32
      %jit3A_370 = arith.constant 128 : i32
      %div3A_371 = arith.divsi %add3A_369, %jit3A_370 : i32
      %sign3A_372 = arith.constant 0 : i32
      %sign3A_373 = arith.cmpi sgt, %add3A_369, %sign3A_372 : i32
      %sign3A_374 = arith.extui %sign3A_373 : i1 to i32
      %sign3A_375 = arith.constant 0 : i32
      %sign3A_376 = arith.cmpi slt, %add3A_369, %sign3A_375 : i32
      %sign3A_377 = arith.extui %sign3A_376 : i1 to i32
      %sign3A_378 = arith.subi %sign3A_374, %sign3A_377 : i32
      %sign3A_379 = arith.constant 0 : i32
      %sign3A_380 = arith.cmpi sgt, %jit3A_370, %sign3A_379 : i32
      %sign3A_381 = arith.extui %sign3A_380 : i1 to i32
      %sign3A_382 = arith.constant 0 : i32
      %sign3A_383 = arith.cmpi slt, %jit3A_370, %sign3A_382 : i32
      %sign3A_384 = arith.extui %sign3A_383 : i1 to i32
      %sign3A_385 = arith.subi %sign3A_381, %sign3A_384 : i32
      %ne3A_386 = arith.cmpi ne, %sign3A_378, %sign3A_385 : i32
      %rem3A_387 = arith.remsi %add3A_369, %jit3A_370 : i32
      %ne3A_388 = arith.constant 0 : i32
      %ne3A_389 = arith.cmpi ne, %rem3A_387, %ne3A_388 : i32
      %and3A_390 = arith.andi %ne3A_386, %ne3A_389 : i1
      %sub3A_391 = arith.constant 1 : i32
      %sub3A_392 = arith.subi %div3A_371, %sub3A_391 : i32
      %select_n3A_393 = arith.select %and3A_390, %sub3A_392, %div3A_371 : i32
      %mul3A_394 = arith.constant 128 : i32
      %mul3A_395 = arith.muli %mul3A_394, %select_n3A_393 : i32
      %sub3A_396 = arith.subi %add3A_368, %mul3A_395 : i32
      %mul3A_397 = arith.constant 128 : i32
      %mul3A_398 = arith.muli %sub3A_396, %mul3A_397 : i32
      %dma_start3A_399 = arith.constant 0 : i32
      %dma_start3A_400 = tpu.memref_slice %arg4[%select_n3A_367, %dma_start3A_399, %mul3A_398] : memref<20x64x16384xf32, #tpu.memory_space<hbm>> -> memref<1x64x128xf32, #tpu.memory_space<hbm>>
      %dma_start3A_401 = tpu.memref_squeeze %dma_start3A_400 : memref<1x64x128xf32, #tpu.memory_space<hbm>> -> memref<64x128xf32, #tpu.memory_space<hbm>>
      %dma_start3A_402 = arith.constant 0 : i32
      %dma_start3A_403 = tpu.memref_slice %arg4[%select_n3A_367, %dma_start3A_402, %mul3A_398] : memref<20x64x16384xf32, #tpu.memory_space<hbm>> -> memref<1x64x128xf32, #tpu.memory_space<hbm>>
      %dma_start3A_404 = tpu.memref_squeeze %dma_start3A_403 : memref<1x64x128xf32, #tpu.memory_space<hbm>> -> memref<64x128xf32, #tpu.memory_space<hbm>>
      tpu.enqueue_dma source(%arg12 : memref<64x128xf32, #tpu.memory_space<vmem>>) target(%dma_start3A_404 : memref<64x128xf32, #tpu.memory_space<hbm>>) target_semaphore(%arg16 : memref<!tpu.dma_semaphore, #tpu.memory_space<semaphore_mem>>)
      %mul3A_405 = arith.constant 2 : i32
      %mul3A_406 = arith.muli %mul3A_405, %scan3A_307 : i32
      %add3A_407 = arith.constant 1 : i32
      %add3A_408 = arith.addi %mul3A_406, %add3A_407 : i32
      %add3A_409 = arith.constant 1 : i32
      %add3A_410 = arith.addi %add3A_408, %add3A_409 : i32
      %lt3A_411 = arith.constant 80 : i32
      %lt3A_412 = arith.cmpi slt, %add3A_410, %lt3A_411 : i32
      %convert_element_type3A_413 = arith.extui %lt3A_412 : i1 to i32
      %cond3A_414 = arith.constant 0 : i32
      %cond3A_415 = arith.cmpi ne, %convert_element_type3A_413, %cond3A_414 : i32
      scf.if %cond3A_415 {
        %add3A_508 = arith.constant 1 : i32
        %add3A_509 = arith.addi %add3A_408, %add3A_508 : i32
        %add3A_510 = arith.addi %mul3A_2, %add3A_509 : i32
        %jit3A_511 = arith.constant 128 : i32
        %div3A_512 = arith.divsi %add3A_510, %jit3A_511 : i32
        %sign3A_513 = arith.constant 0 : i32
        %sign3A_514 = arith.cmpi sgt, %add3A_510, %sign3A_513 : i32
        %sign3A_515 = arith.extui %sign3A_514 : i1 to i32
        %sign3A_516 = arith.constant 0 : i32
        %sign3A_517 = arith.cmpi slt, %add3A_510, %sign3A_516 : i32
        %sign3A_518 = arith.extui %sign3A_517 : i1 to i32
        %sign3A_519 = arith.subi %sign3A_515, %sign3A_518 : i32
        %sign3A_520 = arith.constant 0 : i32
        %sign3A_521 = arith.cmpi sgt, %jit3A_511, %sign3A_520 : i32
        %sign3A_522 = arith.extui %sign3A_521 : i1 to i32
        %sign3A_523 = arith.constant 0 : i32
        %sign3A_524 = arith.cmpi slt, %jit3A_511, %sign3A_523 : i32
        %sign3A_525 = arith.extui %sign3A_524 : i1 to i32
        %sign3A_526 = arith.subi %sign3A_522, %sign3A_525 : i32
        %ne3A_527 = arith.cmpi ne, %sign3A_519, %sign3A_526 : i32
        %rem3A_528 = arith.remsi %add3A_510, %jit3A_511 : i32
        %ne3A_529 = arith.constant 0 : i32
        %ne3A_530 = arith.cmpi ne, %rem3A_528, %ne3A_529 : i32
        %and3A_531 = arith.andi %ne3A_527, %ne3A_530 : i1
        %sub3A_532 = arith.constant 1 : i32
        %sub3A_533 = arith.subi %div3A_512, %sub3A_532 : i32
        %select_n3A_534 = arith.select %and3A_531, %sub3A_533, %div3A_512 : i32
        %add3A_535 = arith.addi %mul3A_2, %add3A_509 : i32
        %add3A_536 = arith.addi %mul3A_2, %add3A_509 : i32
        %jit3A_537 = arith.constant 128 : i32
        %div3A_538 = arith.divsi %add3A_536, %jit3A_537 : i32
        %sign3A_539 = arith.constant 0 : i32
        %sign3A_540 = arith.cmpi sgt, %add3A_536, %sign3A_539 : i32
        %sign3A_541 = arith.extui %sign3A_540 : i1 to i32
        %sign3A_542 = arith.constant 0 : i32
        %sign3A_543 = arith.cmpi slt, %add3A_536, %sign3A_542 : i32
        %sign3A_544 = arith.extui %sign3A_543 : i1 to i32
        %sign3A_545 = arith.subi %sign3A_541, %sign3A_544 : i32
        %sign3A_546 = arith.constant 0 : i32
        %sign3A_547 = arith.cmpi sgt, %jit3A_537, %sign3A_546 : i32
        %sign3A_548 = arith.extui %sign3A_547 : i1 to i32
        %sign3A_549 = arith.constant 0 : i32
        %sign3A_550 = arith.cmpi slt, %jit3A_537, %sign3A_549 : i32
        %sign3A_551 = arith.extui %sign3A_550 : i1 to i32
        %sign3A_552 = arith.subi %sign3A_548, %sign3A_551 : i32
        %ne3A_553 = arith.cmpi ne, %sign3A_545, %sign3A_552 : i32
        %rem3A_554 = arith.remsi %add3A_536, %jit3A_537 : i32
        %ne3A_555 = arith.constant 0 : i32
        %ne3A_556 = arith.cmpi ne, %rem3A_554, %ne3A_555 : i32
        %and3A_557 = arith.andi %ne3A_553, %ne3A_556 : i1
        %sub3A_558 = arith.constant 1 : i32
        %sub3A_559 = arith.subi %div3A_538, %sub3A_558 : i32
        %select_n3A_560 = arith.select %and3A_557, %sub3A_559, %div3A_538 : i32
        %mul3A_561 = arith.constant 128 : i32
        %mul3A_562 = arith.muli %mul3A_561, %select_n3A_560 : i32
        %sub3A_563 = arith.subi %add3A_535, %mul3A_562 : i32
        %mul3A_564 = arith.constant 128 : i32
        %mul3A_565 = arith.muli %sub3A_563, %mul3A_564 : i32
        "tpu.region"() ({
          %run_scoped3A = tpu.sem_alloc : memref<!tpu.dma_semaphore, #tpu.memory_space<semaphore_mem>>
          %dma_start3A_691 = tpu.memref_slice %arg3[%select_n3A_534, %mul3A_565] : memref<20x16384xi32, #tpu.memory_space<hbm>> -> memref<1x128xi32, #tpu.memory_space<hbm>>
          %dma_start3A_692 = tpu.memref_squeeze %dma_start3A_691 : memref<1x128xi32, #tpu.memory_space<hbm>> -> memref<128xi32, #tpu.memory_space<hbm>>
          %dma_start3A_693 = tpu.memref_slice %arg3[%select_n3A_534, %mul3A_565] : memref<20x16384xi32, #tpu.memory_space<hbm>> -> memref<1x128xi32, #tpu.memory_space<hbm>>
          %dma_start3A_694 = tpu.memref_squeeze %dma_start3A_693 : memref<1x128xi32, #tpu.memory_space<hbm>> -> memref<128xi32, #tpu.memory_space<hbm>>
          tpu.enqueue_dma source(%dma_start3A_694 : memref<128xi32, #tpu.memory_space<hbm>>) target(%arg5 : memref<128xi32, #tpu.memory_space<vmem>>) target_semaphore(%run_scoped3A : memref<!tpu.dma_semaphore, #tpu.memory_space<semaphore_mem>>)
          %dma_wait3A_695 = tpu.memref_slice %arg3[%select_n3A_534, %mul3A_565] : memref<20x16384xi32, #tpu.memory_space<hbm>> -> memref<1x128xi32, #tpu.memory_space<hbm>>
          %dma_wait3A_696 = tpu.memref_squeeze %dma_wait3A_695 : memref<1x128xi32, #tpu.memory_space<hbm>> -> memref<128xi32, #tpu.memory_space<hbm>>
          %dma_wait3A_697 = tpu.memref_slice %arg3[%select_n3A_534, %mul3A_565] : memref<20x16384xi32, #tpu.memory_space<hbm>> -> memref<1x128xi32, #tpu.memory_space<hbm>>
          %dma_wait3A_698 = tpu.memref_squeeze %dma_wait3A_697 : memref<1x128xi32, #tpu.memory_space<hbm>> -> memref<128xi32, #tpu.memory_space<hbm>>
          tpu.wait_dma2 semaphore(%run_scoped3A : memref<!tpu.dma_semaphore, #tpu.memory_space<semaphore_mem>>) src(%dma_wait3A_698 : memref<128xi32, #tpu.memory_space<hbm>>) dst(%arg5 : memref<128xi32, #tpu.memory_space<vmem>>)
          tpu.yield
        }) : () -> ()
        %get3A_566 = arith.constant 0 : index
        %get3A_567 = tpu.vector_load %arg5[%get3A_566] {strides = array<i32>} : memref<128xi32, #tpu.memory_space<vmem>>, vector<16xi32>,
        %shift_right_arithmetic3A_568 = arith.constant 1 : i32
        %shift_right_arithmetic3A_569 = vector.broadcast %shift_right_arithmetic3A_568 : i32 to vector<16xi32>
        %shift_right_arithmetic3A_570 = arith.shrsi %get3A_567, %shift_right_arithmetic3A_569 : vector<16xi32>
        %swap3A_571 = arith.constant 0 : index
        %swap3A_572 = tpu.vector_load %arg6[%swap3A_571] {strides = array<i32>} : memref<128xi32, #tpu.memory_space<vmem>>, vector<16xi32>,
        tpu.vector_store %arg6[%swap3A_571], %shift_right_arithmetic3A_570 {strides = array<i32>} : memref<128xi32, #tpu.memory_space<vmem>>, vector<16xi32>,
        %and3A_573 = arith.constant 1 : i32
        %and3A_574 = vector.broadcast %and3A_573 : i32 to vector<16xi32>
        %and3A_575 = arith.andi %get3A_567, %and3A_574 : vector<16xi32>
        %mul3A_576 = arith.constant 64 : i32
        %mul3A_577 = vector.broadcast %mul3A_576 : i32 to vector<16xi32>
        %mul3A_578 = arith.muli %and3A_575, %mul3A_577 : vector<16xi32>
        %swap3A_579 = arith.constant 0 : index
        %swap3A_580 = tpu.vector_load %arg8[%swap3A_579] {strides = array<i32>} : memref<128xi32, #tpu.memory_space<vmem>>, vector<16xi32>,
        tpu.vector_store %arg8[%swap3A_579], %mul3A_578 {strides = array<i32>} : memref<128xi32, #tpu.memory_space<vmem>>, vector<16xi32>,
        %get3A_581 = arith.constant 16 : index
        %get3A_582 = tpu.vector_load %arg5[%get3A_581] {strides = array<i32>} : memref<128xi32, #tpu.memory_space<vmem>>, vector<16xi32>,
        %shift_right_arithmetic3A_583 = arith.constant 1 : i32
        %shift_right_arithmetic3A_584 = vector.broadcast %shift_right_arithmetic3A_583 : i32 to vector<16xi32>
        %shift_right_arithmetic3A_585 = arith.shrsi %get3A_582, %shift_right_arithmetic3A_584 : vector<16xi32>
        %swap3A_586 = arith.constant 16 : index
        %swap3A_587 = tpu.vector_load %arg6[%swap3A_586] {strides = array<i32>} : memref<128xi32, #tpu.memory_space<vmem>>, vector<16xi32>,
        tpu.vector_store %arg6[%swap3A_586], %shift_right_arithmetic3A_585 {strides = array<i32>} : memref<128xi32, #tpu.memory_space<vmem>>, vector<16xi32>,
        %and3A_588 = arith.constant 1 : i32
        %and3A_589 = vector.broadcast %and3A_588 : i32 to vector<16xi32>
        %and3A_590 = arith.andi %get3A_582, %and3A_589 : vector<16xi32>
        %mul3A_591 = arith.constant 64 : i32
        %mul3A_592 = vector.broadcast %mul3A_591 : i32 to vector<16xi32>
        %mul3A_593 = arith.muli %and3A_590, %mul3A_592 : vector<16xi32>
        %swap3A_594 = arith.constant 16 : index
        %swap3A_595 = tpu.vector_load %arg8[%swap3A_594] {strides = array<i32>} : memref<128xi32, #tpu.memory_space<vmem>>, vector<16xi32>,
        tpu.vector_store %arg8[%swap3A_594], %mul3A_593 {strides = array<i32>} : memref<128xi32, #tpu.memory_space<vmem>>, vector<16xi32>,
        %get3A_596 = arith.constant 32 : index
        %get3A_597 = tpu.vector_load %arg5[%get3A_596] {strides = array<i32>} : memref<128xi32, #tpu.memory_space<vmem>>, vector<16xi32>,
        %shift_right_arithmetic3A_598 = arith.constant 1 : i32
        %shift_right_arithmetic3A_599 = vector.broadcast %shift_right_arithmetic3A_598 : i32 to vector<16xi32>
        %shift_right_arithmetic3A_600 = arith.shrsi %get3A_597, %shift_right_arithmetic3A_599 : vector<16xi32>
        %swap3A_601 = arith.constant 32 : index
        %swap3A_602 = tpu.vector_load %arg6[%swap3A_601] {strides = array<i32>} : memref<128xi32, #tpu.memory_space<vmem>>, vector<16xi32>,
        tpu.vector_store %arg6[%swap3A_601], %shift_right_arithmetic3A_600 {strides = array<i32>} : memref<128xi32, #tpu.memory_space<vmem>>, vector<16xi32>,
        %and3A_603 = arith.constant 1 : i32
        %and3A_604 = vector.broadcast %and3A_603 : i32 to vector<16xi32>
        %and3A_605 = arith.andi %get3A_597, %and3A_604 : vector<16xi32>
        %mul3A_606 = arith.constant 64 : i32
        %mul3A_607 = vector.broadcast %mul3A_606 : i32 to vector<16xi32>
        %mul3A_608 = arith.muli %and3A_605, %mul3A_607 : vector<16xi32>
        %swap3A_609 = arith.constant 32 : index
        %swap3A_610 = tpu.vector_load %arg8[%swap3A_609] {strides = array<i32>} : memref<128xi32, #tpu.memory_space<vmem>>, vector<16xi32>,
        tpu.vector_store %arg8[%swap3A_609], %mul3A_608 {strides = array<i32>} : memref<128xi32, #tpu.memory_space<vmem>>, vector<16xi32>,
        %get3A_611 = arith.constant 48 : index
        %get3A_612 = tpu.vector_load %arg5[%get3A_611] {strides = array<i32>} : memref<128xi32, #tpu.memory_space<vmem>>, vector<16xi32>,
        %shift_right_arithmetic3A_613 = arith.constant 1 : i32
        %shift_right_arithmetic3A_614 = vector.broadcast %shift_right_arithmetic3A_613 : i32 to vector<16xi32>
        %shift_right_arithmetic3A_615 = arith.shrsi %get3A_612, %shift_right_arithmetic3A_614 : vector<16xi32>
        %swap3A_616 = arith.constant 48 : index
        %swap3A_617 = tpu.vector_load %arg6[%swap3A_616] {strides = array<i32>} : memref<128xi32, #tpu.memory_space<vmem>>, vector<16xi32>,
        tpu.vector_store %arg6[%swap3A_616], %shift_right_arithmetic3A_615 {strides = array<i32>} : memref<128xi32, #tpu.memory_space<vmem>>, vector<16xi32>,
        %and3A_618 = arith.constant 1 : i32
        %and3A_619 = vector.broadcast %and3A_618 : i32 to vector<16xi32>
        %and3A_620 = arith.andi %get3A_612, %and3A_619 : vector<16xi32>
        %mul3A_621 = arith.constant 64 : i32
        %mul3A_622 = vector.broadcast %mul3A_621 : i32 to vector<16xi32>
        %mul3A_623 = arith.muli %and3A_620, %mul3A_622 : vector<16xi32>
        %swap3A_624 = arith.constant 48 : index
        %swap3A_625 = tpu.vector_load %arg8[%swap3A_624] {strides = array<i32>} : memref<128xi32, #tpu.memory_space<vmem>>, vector<16xi32>,
        tpu.vector_store %arg8[%swap3A_624], %mul3A_623 {strides = array<i32>} : memref<128xi32, #tpu.memory_space<vmem>>, vector<16xi32>,
        %get3A_626 = arith.constant 64 : index
        %get3A_627 = tpu.vector_load %arg5[%get3A_626] {strides = array<i32>} : memref<128xi32, #tpu.memory_space<vmem>>, vector<16xi32>,
        %shift_right_arithmetic3A_628 = arith.constant 1 : i32
        %shift_right_arithmetic3A_629 = vector.broadcast %shift_right_arithmetic3A_628 : i32 to vector<16xi32>
        %shift_right_arithmetic3A_630 = arith.shrsi %get3A_627, %shift_right_arithmetic3A_629 : vector<16xi32>
        %swap3A_631 = arith.constant 64 : index
        %swap3A_632 = tpu.vector_load %arg6[%swap3A_631] {strides = array<i32>} : memref<128xi32, #tpu.memory_space<vmem>>, vector<16xi32>,
        tpu.vector_store %arg6[%swap3A_631], %shift_right_arithmetic3A_630 {strides = array<i32>} : memref<128xi32, #tpu.memory_space<vmem>>, vector<16xi32>,
        %and3A_633 = arith.constant 1 : i32
        %and3A_634 = vector.broadcast %and3A_633 : i32 to vector<16xi32>
        %and3A_635 = arith.andi %get3A_627, %and3A_634 : vector<16xi32>
        %mul3A_636 = arith.constant 64 : i32
        %mul3A_637 = vector.broadcast %mul3A_636 : i32 to vector<16xi32>
        %mul3A_638 = arith.muli %and3A_635, %mul3A_637 : vector<16xi32>
        %swap3A_639 = arith.constant 64 : index
        %swap3A_640 = tpu.vector_load %arg8[%swap3A_639] {strides = array<i32>} : memref<128xi32, #tpu.memory_space<vmem>>, vector<16xi32>,
        tpu.vector_store %arg8[%swap3A_639], %mul3A_638 {strides = array<i32>} : memref<128xi32, #tpu.memory_space<vmem>>, vector<16xi32>,
        %get3A_641 = arith.constant 80 : index
        %get3A_642 = tpu.vector_load %arg5[%get3A_641] {strides = array<i32>} : memref<128xi32, #tpu.memory_space<vmem>>, vector<16xi32>,
        %shift_right_arithmetic3A_643 = arith.constant 1 : i32
        %shift_right_arithmetic3A_644 = vector.broadcast %shift_right_arithmetic3A_643 : i32 to vector<16xi32>
        %shift_right_arithmetic3A_645 = arith.shrsi %get3A_642, %shift_right_arithmetic3A_644 : vector<16xi32>
        %swap3A_646 = arith.constant 80 : index
        %swap3A_647 = tpu.vector_load %arg6[%swap3A_646] {strides = array<i32>} : memref<128xi32, #tpu.memory_space<vmem>>, vector<16xi32>,
        tpu.vector_store %arg6[%swap3A_646], %shift_right_arithmetic3A_645 {strides = array<i32>} : memref<128xi32, #tpu.memory_space<vmem>>, vector<16xi32>,
        %and3A_648 = arith.constant 1 : i32
        %and3A_649 = vector.broadcast %and3A_648 : i32 to vector<16xi32>
        %and3A_650 = arith.andi %get3A_642, %and3A_649 : vector<16xi32>
        %mul3A_651 = arith.constant 64 : i32
        %mul3A_652 = vector.broadcast %mul3A_651 : i32 to vector<16xi32>
        %mul3A_653 = arith.muli %and3A_650, %mul3A_652 : vector<16xi32>
        %swap3A_654 = arith.constant 80 : index
        %swap3A_655 = tpu.vector_load %arg8[%swap3A_654] {strides = array<i32>} : memref<128xi32, #tpu.memory_space<vmem>>, vector<16xi32>,
        tpu.vector_store %arg8[%swap3A_654], %mul3A_653 {strides = array<i32>} : memref<128xi32, #tpu.memory_space<vmem>>, vector<16xi32>,
        %get3A_656 = arith.constant 96 : index
        %get3A_657 = tpu.vector_load %arg5[%get3A_656] {strides = array<i32>} : memref<128xi32, #tpu.memory_space<vmem>>, vector<16xi32>,
        %shift_right_arithmetic3A_658 = arith.constant 1 : i32
        %shift_right_arithmetic3A_659 = vector.broadcast %shift_right_arithmetic3A_658 : i32 to vector<16xi32>
        %shift_right_arithmetic3A_660 = arith.shrsi %get3A_657, %shift_right_arithmetic3A_659 : vector<16xi32>
        %swap3A_661 = arith.constant 96 : index
        %swap3A_662 = tpu.vector_load %arg6[%swap3A_661] {strides = array<i32>} : memref<128xi32, #tpu.memory_space<vmem>>, vector<16xi32>,
        tpu.vector_store %arg6[%swap3A_661], %shift_right_arithmetic3A_660 {strides = array<i32>} : memref<128xi32, #tpu.memory_space<vmem>>, vector<16xi32>,
        %and3A_663 = arith.constant 1 : i32
        %and3A_664 = vector.broadcast %and3A_663 : i32 to vector<16xi32>
        %and3A_665 = arith.andi %get3A_657, %and3A_664 : vector<16xi32>
        %mul3A_666 = arith.constant 64 : i32
        %mul3A_667 = vector.broadcast %mul3A_666 : i32 to vector<16xi32>
        %mul3A_668 = arith.muli %and3A_665, %mul3A_667 : vector<16xi32>
        %swap3A_669 = arith.constant 96 : index
        %swap3A_670 = tpu.vector_load %arg8[%swap3A_669] {strides = array<i32>} : memref<128xi32, #tpu.memory_space<vmem>>, vector<16xi32>,
        tpu.vector_store %arg8[%swap3A_669], %mul3A_668 {strides = array<i32>} : memref<128xi32, #tpu.memory_space<vmem>>, vector<16xi32>,
        %get3A_671 = arith.constant 112 : index
        %get3A_672 = tpu.vector_load %arg5[%get3A_671] {strides = array<i32>} : memref<128xi32, #tpu.memory_space<vmem>>, vector<16xi32>,
        %shift_right_arithmetic3A_673 = arith.constant 1 : i32
        %shift_right_arithmetic3A_674 = vector.broadcast %shift_right_arithmetic3A_673 : i32 to vector<16xi32>
        %shift_right_arithmetic3A_675 = arith.shrsi %get3A_672, %shift_right_arithmetic3A_674 : vector<16xi32>
        %swap3A_676 = arith.constant 112 : index
        %swap3A_677 = tpu.vector_load %arg6[%swap3A_676] {strides = array<i32>} : memref<128xi32, #tpu.memory_space<vmem>>, vector<16xi32>,
        tpu.vector_store %arg6[%swap3A_676], %shift_right_arithmetic3A_675 {strides = array<i32>} : memref<128xi32, #tpu.memory_space<vmem>>, vector<16xi32>,
        %and3A_678 = arith.constant 1 : i32
        %and3A_679 = vector.broadcast %and3A_678 : i32 to vector<16xi32>
        %and3A_680 = arith.andi %get3A_672, %and3A_679 : vector<16xi32>
        %mul3A_681 = arith.constant 64 : i32
        %mul3A_682 = vector.broadcast %mul3A_681 : i32 to vector<16xi32>
        %mul3A_683 = arith.muli %and3A_680, %mul3A_682 : vector<16xi32>
        %swap3A_684 = arith.constant 112 : index
        %swap3A_685 = tpu.vector_load %arg8[%swap3A_684] {strides = array<i32>} : memref<128xi32, #tpu.memory_space<vmem>>, vector<16xi32>,
        tpu.vector_store %arg8[%swap3A_684], %mul3A_683 {strides = array<i32>} : memref<128xi32, #tpu.memory_space<vmem>>, vector<16xi32>,
        %add3A_686 = arith.constant 1 : i32
        %add3A_687 = arith.addi %add3A_408, %add3A_686 : i32
        %dma_start3A_688 = arith.constant 0 : i32
        %dma_start3A_689 = arith.constant 0 : i32
        %dma_start3A_690 = tpu.memref_slice %arg2[%dma_start3A_688, %dma_start3A_689] : memref<500032x128xf32, #tpu.memory_space<hbm>> -> memref<500032x128xf32, #tpu.memory_space<hbm>>
        tpu.enqueue_indirect_dma source(%dma_start3A_690 : memref<500032x128xf32, #tpu.memory_space<hbm>>) target(%arg10 : memref<128x128xf32, #tpu.memory_space<vmem>>) offsets(%arg6 : memref<128xi32, #tpu.memory_space<vmem>>) semaphore(%arg14 : memref<!tpu.dma_semaphore, #tpu.memory_space<semaphore_mem>>)
      } else {
      }
      %dma_wait3A_416 = arith.constant 0 : i32
      %dma_wait3A_417 = arith.constant 0 : i32
      %dma_wait3A_418 = tpu.memref_slice %arg2[%dma_wait3A_416, %dma_wait3A_417] : memref<500032x128xf32, #tpu.memory_space<hbm>> -> memref<500032x128xf32, #tpu.memory_space<hbm>>
      tpu.wait_indirect_dma semaphore(%arg15 : memref<!tpu.dma_semaphore, #tpu.memory_space<semaphore_mem>>) src(%dma_wait3A_418 : memref<500032x128xf32, #tpu.memory_space<hbm>>) dst(%arg11 : memref<128x128xf32, #tpu.memory_space<vmem>>)
      %ge3A_419 = arith.constant 2 : i32
      %ge3A_420 = arith.cmpi sge, %add3A_408, %ge3A_419 : i32
      %convert_element_type3A_421 = arith.extui %ge3A_420 : i1 to i32
      %cond3A_422 = arith.constant 0 : i32
      %cond3A_423 = arith.cmpi ne, %convert_element_type3A_421, %cond3A_422 : i32
      scf.if %cond3A_423 {
        %sub3A_508 = arith.constant 2 : i32
        %sub3A_509 = arith.subi %add3A_408, %sub3A_508 : i32
        %add3A_510 = arith.addi %mul3A_2, %sub3A_509 : i32
        %jit3A_511 = arith.constant 128 : i32
        %div3A_512 = arith.divsi %add3A_510, %jit3A_511 : i32
        %sign3A_513 = arith.constant 0 : i32
        %sign3A_514 = arith.cmpi sgt, %add3A_510, %sign3A_513 : i32
        %sign3A_515 = arith.extui %sign3A_514 : i1 to i32
        %sign3A_516 = arith.constant 0 : i32
        %sign3A_517 = arith.cmpi slt, %add3A_510, %sign3A_516 : i32
        %sign3A_518 = arith.extui %sign3A_517 : i1 to i32
        %sign3A_519 = arith.subi %sign3A_515, %sign3A_518 : i32
        %sign3A_520 = arith.constant 0 : i32
        %sign3A_521 = arith.cmpi sgt, %jit3A_511, %sign3A_520 : i32
        %sign3A_522 = arith.extui %sign3A_521 : i1 to i32
        %sign3A_523 = arith.constant 0 : i32
        %sign3A_524 = arith.cmpi slt, %jit3A_511, %sign3A_523 : i32
        %sign3A_525 = arith.extui %sign3A_524 : i1 to i32
        %sign3A_526 = arith.subi %sign3A_522, %sign3A_525 : i32
        %ne3A_527 = arith.cmpi ne, %sign3A_519, %sign3A_526 : i32
        %rem3A_528 = arith.remsi %add3A_510, %jit3A_511 : i32
        %ne3A_529 = arith.constant 0 : i32
        %ne3A_530 = arith.cmpi ne, %rem3A_528, %ne3A_529 : i32
        %and3A_531 = arith.andi %ne3A_527, %ne3A_530 : i1
        %sub3A_532 = arith.constant 1 : i32
        %sub3A_533 = arith.subi %div3A_512, %sub3A_532 : i32
        %select_n3A_534 = arith.select %and3A_531, %sub3A_533, %div3A_512 : i32
        %add3A_535 = arith.addi %mul3A_2, %sub3A_509 : i32
        %add3A_536 = arith.addi %mul3A_2, %sub3A_509 : i32
        %jit3A_537 = arith.constant 128 : i32
        %div3A_538 = arith.divsi %add3A_536, %jit3A_537 : i32
        %sign3A_539 = arith.constant 0 : i32
        %sign3A_540 = arith.cmpi sgt, %add3A_536, %sign3A_539 : i32
        %sign3A_541 = arith.extui %sign3A_540 : i1 to i32
        %sign3A_542 = arith.constant 0 : i32
        %sign3A_543 = arith.cmpi slt, %add3A_536, %sign3A_542 : i32
        %sign3A_544 = arith.extui %sign3A_543 : i1 to i32
        %sign3A_545 = arith.subi %sign3A_541, %sign3A_544 : i32
        %sign3A_546 = arith.constant 0 : i32
        %sign3A_547 = arith.cmpi sgt, %jit3A_537, %sign3A_546 : i32
        %sign3A_548 = arith.extui %sign3A_547 : i1 to i32
        %sign3A_549 = arith.constant 0 : i32
        %sign3A_550 = arith.cmpi slt, %jit3A_537, %sign3A_549 : i32
        %sign3A_551 = arith.extui %sign3A_550 : i1 to i32
        %sign3A_552 = arith.subi %sign3A_548, %sign3A_551 : i32
        %ne3A_553 = arith.cmpi ne, %sign3A_545, %sign3A_552 : i32
        %rem3A_554 = arith.remsi %add3A_536, %jit3A_537 : i32
        %ne3A_555 = arith.constant 0 : i32
        %ne3A_556 = arith.cmpi ne, %rem3A_554, %ne3A_555 : i32
        %and3A_557 = arith.andi %ne3A_553, %ne3A_556 : i1
        %sub3A_558 = arith.constant 1 : i32
        %sub3A_559 = arith.subi %div3A_538, %sub3A_558 : i32
        %select_n3A_560 = arith.select %and3A_557, %sub3A_559, %div3A_538 : i32
        %mul3A_561 = arith.constant 128 : i32
        %mul3A_562 = arith.muli %mul3A_561, %select_n3A_560 : i32
        %sub3A_563 = arith.subi %add3A_535, %mul3A_562 : i32
        %mul3A_564 = arith.constant 128 : i32
        %mul3A_565 = arith.muli %sub3A_563, %mul3A_564 : i32
        %dma_wait3A_566 = arith.constant 0 : i32
        %dma_wait3A_567 = tpu.memref_slice %arg4[%select_n3A_534, %dma_wait3A_566, %mul3A_565] : memref<20x64x16384xf32, #tpu.memory_space<hbm>> -> memref<1x64x128xf32, #tpu.memory_space<hbm>>
        %dma_wait3A_568 = tpu.memref_squeeze %dma_wait3A_567 : memref<1x64x128xf32, #tpu.memory_space<hbm>> -> memref<64x128xf32, #tpu.memory_space<hbm>>
        %dma_wait3A_569 = arith.constant 0 : i32
        %dma_wait3A_570 = tpu.memref_slice %arg4[%select_n3A_534, %dma_wait3A_569, %mul3A_565] : memref<20x64x16384xf32, #tpu.memory_space<hbm>> -> memref<1x64x128xf32, #tpu.memory_space<hbm>>
        %dma_wait3A_571 = tpu.memref_squeeze %dma_wait3A_570 : memref<1x64x128xf32, #tpu.memory_space<hbm>> -> memref<64x128xf32, #tpu.memory_space<hbm>>
        tpu.wait_dma2 semaphore(%arg17 : memref<!tpu.dma_semaphore, #tpu.memory_space<semaphore_mem>>) src(%arg13 : memref<64x128xf32, #tpu.memory_space<vmem>>) dst(%dma_wait3A_571 : memref<64x128xf32, #tpu.memory_space<hbm>>)
      } else {
      }
      %get3A_424 = arith.constant 0 : index
      %get3A_425 = tpu.vector_load %arg9[%get3A_424] {strides = array<i32>} : memref<128xi32, #tpu.memory_space<vmem>>, vector<16xi32>,
      %get3A_426 = arith.constant 16 : index
      %get3A_427 = tpu.vector_load %arg9[%get3A_426] {strides = array<i32>} : memref<128xi32, #tpu.memory_space<vmem>>, vector<16xi32>,
      %get3A_428 = arith.constant 32 : index
      %get3A_429 = tpu.vector_load %arg9[%get3A_428] {strides = array<i32>} : memref<128xi32, #tpu.memory_space<vmem>>, vector<16xi32>,
      %get3A_430 = arith.constant 48 : index
      %get3A_431 = tpu.vector_load %arg9[%get3A_430] {strides = array<i32>} : memref<128xi32, #tpu.memory_space<vmem>>, vector<16xi32>,
      %get3A_432 = arith.constant 64 : index
      %get3A_433 = tpu.vector_load %arg9[%get3A_432] {strides = array<i32>} : memref<128xi32, #tpu.memory_space<vmem>>, vector<16xi32>,
      %get3A_434 = arith.constant 80 : index
      %get3A_435 = tpu.vector_load %arg9[%get3A_434] {strides = array<i32>} : memref<128xi32, #tpu.memory_space<vmem>>, vector<16xi32>,
      %get3A_436 = arith.constant 96 : index
      %get3A_437 = tpu.vector_load %arg9[%get3A_436] {strides = array<i32>} : memref<128xi32, #tpu.memory_space<vmem>>, vector<16xi32>,
      %get3A_438 = arith.constant 112 : index
      %get3A_439 = tpu.vector_load %arg9[%get3A_438] {strides = array<i32>} : memref<128xi32, #tpu.memory_space<vmem>>, vector<16xi32>,
      %scan3A_440 = arith.constant 0 : i32
      %scan3A_441 = arith.constant 0 : i32
      %scan3A_442 = arith.constant 64 : i32
      %scan3A_443 = arith.addi %scan3A_441, %scan3A_442 : i32
      %scan3A_444 = arith.constant 1 : i32
      scf.for %scan3A_508 = %scan3A_441 to %scan3A_443 step %scan3A_444  : i32 {
        %add3A_509 = vector.broadcast %scan3A_508 : i32 to vector<16xi32>
        %add3A_510 = arith.addi %get3A_425, %add3A_509 : vector<16xi32>
        %add3A_511 = arith.constant 0 : i32
        %add3A_512 = vector.broadcast %add3A_511 : i32 to vector<16xi32>
        %add3A_513 = arith.addi %iota3A, %add3A_512 : vector<16xi32>
        %gather3A = tpu.vector_load_idx %arg11[%add3A_513, %add3A_510] : memref<128x128xf32, #tpu.memory_space<vmem>>[vector<16xi32>, vector<16xi32>], vector<16xf32>,
        %mul3A_514 = arith.constant 8.000000e+00 : f32
        %mul3A_515 = vector.broadcast %mul3A_514 : f32 to vector<16xf32>
        %mul3A_516 = arith.mulf %gather3A, %mul3A_515 : vector<16xf32>
        %swap3A_517 = arith.index_cast %scan3A_508 : i32 to index
        %swap3A_518 = arith.constant 0 : index
        %swap3A_519 = tpu.vector_load %arg13[%swap3A_517, %swap3A_518] {strides = array<i32>} : memref<64x128xf32, #tpu.memory_space<vmem>>, vector<16xf32>,
        tpu.vector_store %arg13[%swap3A_517, %swap3A_518], %mul3A_516 {strides = array<i32>} : memref<64x128xf32, #tpu.memory_space<vmem>>, vector<16xf32>,
        %add3A_520 = vector.broadcast %scan3A_508 : i32 to vector<16xi32>
        %add3A_521 = arith.addi %get3A_427, %add3A_520 : vector<16xi32>
        %add3A_522 = arith.constant 16 : i32
        %add3A_523 = vector.broadcast %add3A_522 : i32 to vector<16xi32>
        %add3A_524 = arith.addi %iota3A, %add3A_523 : vector<16xi32>
        %gather3A_525 = tpu.vector_load_idx %arg11[%add3A_524, %add3A_521] : memref<128x128xf32, #tpu.memory_space<vmem>>[vector<16xi32>, vector<16xi32>], vector<16xf32>,
        %mul3A_526 = arith.constant 8.000000e+00 : f32
        %mul3A_527 = vector.broadcast %mul3A_526 : f32 to vector<16xf32>
        %mul3A_528 = arith.mulf %gather3A_525, %mul3A_527 : vector<16xf32>
        %swap3A_529 = arith.index_cast %scan3A_508 : i32 to index
        %swap3A_530 = arith.constant 16 : index
        %swap3A_531 = tpu.vector_load %arg13[%swap3A_529, %swap3A_530] {strides = array<i32>} : memref<64x128xf32, #tpu.memory_space<vmem>>, vector<16xf32>,
        tpu.vector_store %arg13[%swap3A_529, %swap3A_530], %mul3A_528 {strides = array<i32>} : memref<64x128xf32, #tpu.memory_space<vmem>>, vector<16xf32>,
        %add3A_532 = vector.broadcast %scan3A_508 : i32 to vector<16xi32>
        %add3A_533 = arith.addi %get3A_429, %add3A_532 : vector<16xi32>
        %add3A_534 = arith.constant 32 : i32
        %add3A_535 = vector.broadcast %add3A_534 : i32 to vector<16xi32>
        %add3A_536 = arith.addi %iota3A, %add3A_535 : vector<16xi32>
        %gather3A_537 = tpu.vector_load_idx %arg11[%add3A_536, %add3A_533] : memref<128x128xf32, #tpu.memory_space<vmem>>[vector<16xi32>, vector<16xi32>], vector<16xf32>,
        %mul3A_538 = arith.constant 8.000000e+00 : f32
        %mul3A_539 = vector.broadcast %mul3A_538 : f32 to vector<16xf32>
        %mul3A_540 = arith.mulf %gather3A_537, %mul3A_539 : vector<16xf32>
        %swap3A_541 = arith.index_cast %scan3A_508 : i32 to index
        %swap3A_542 = arith.constant 32 : index
        %swap3A_543 = tpu.vector_load %arg13[%swap3A_541, %swap3A_542] {strides = array<i32>} : memref<64x128xf32, #tpu.memory_space<vmem>>, vector<16xf32>,
        tpu.vector_store %arg13[%swap3A_541, %swap3A_542], %mul3A_540 {strides = array<i32>} : memref<64x128xf32, #tpu.memory_space<vmem>>, vector<16xf32>,
        %add3A_544 = vector.broadcast %scan3A_508 : i32 to vector<16xi32>
        %add3A_545 = arith.addi %get3A_431, %add3A_544 : vector<16xi32>
        %add3A_546 = arith.constant 48 : i32
        %add3A_547 = vector.broadcast %add3A_546 : i32 to vector<16xi32>
        %add3A_548 = arith.addi %iota3A, %add3A_547 : vector<16xi32>
        %gather3A_549 = tpu.vector_load_idx %arg11[%add3A_548, %add3A_545] : memref<128x128xf32, #tpu.memory_space<vmem>>[vector<16xi32>, vector<16xi32>], vector<16xf32>,
        %mul3A_550 = arith.constant 8.000000e+00 : f32
        %mul3A_551 = vector.broadcast %mul3A_550 : f32 to vector<16xf32>
        %mul3A_552 = arith.mulf %gather3A_549, %mul3A_551 : vector<16xf32>
        %swap3A_553 = arith.index_cast %scan3A_508 : i32 to index
        %swap3A_554 = arith.constant 48 : index
        %swap3A_555 = tpu.vector_load %arg13[%swap3A_553, %swap3A_554] {strides = array<i32>} : memref<64x128xf32, #tpu.memory_space<vmem>>, vector<16xf32>,
        tpu.vector_store %arg13[%swap3A_553, %swap3A_554], %mul3A_552 {strides = array<i32>} : memref<64x128xf32, #tpu.memory_space<vmem>>, vector<16xf32>,
        %add3A_556 = vector.broadcast %scan3A_508 : i32 to vector<16xi32>
        %add3A_557 = arith.addi %get3A_433, %add3A_556 : vector<16xi32>
        %add3A_558 = arith.constant 64 : i32
        %add3A_559 = vector.broadcast %add3A_558 : i32 to vector<16xi32>
        %add3A_560 = arith.addi %iota3A, %add3A_559 : vector<16xi32>
        %gather3A_561 = tpu.vector_load_idx %arg11[%add3A_560, %add3A_557] : memref<128x128xf32, #tpu.memory_space<vmem>>[vector<16xi32>, vector<16xi32>], vector<16xf32>,
        %mul3A_562 = arith.constant 8.000000e+00 : f32
        %mul3A_563 = vector.broadcast %mul3A_562 : f32 to vector<16xf32>
        %mul3A_564 = arith.mulf %gather3A_561, %mul3A_563 : vector<16xf32>
        %swap3A_565 = arith.index_cast %scan3A_508 : i32 to index
        %swap3A_566 = arith.constant 64 : index
        %swap3A_567 = tpu.vector_load %arg13[%swap3A_565, %swap3A_566] {strides = array<i32>} : memref<64x128xf32, #tpu.memory_space<vmem>>, vector<16xf32>,
        tpu.vector_store %arg13[%swap3A_565, %swap3A_566], %mul3A_564 {strides = array<i32>} : memref<64x128xf32, #tpu.memory_space<vmem>>, vector<16xf32>,
        %add3A_568 = vector.broadcast %scan3A_508 : i32 to vector<16xi32>
        %add3A_569 = arith.addi %get3A_435, %add3A_568 : vector<16xi32>
        %add3A_570 = arith.constant 80 : i32
        %add3A_571 = vector.broadcast %add3A_570 : i32 to vector<16xi32>
        %add3A_572 = arith.addi %iota3A, %add3A_571 : vector<16xi32>
        %gather3A_573 = tpu.vector_load_idx %arg11[%add3A_572, %add3A_569] : memref<128x128xf32, #tpu.memory_space<vmem>>[vector<16xi32>, vector<16xi32>], vector<16xf32>,
        %mul3A_574 = arith.constant 8.000000e+00 : f32
        %mul3A_575 = vector.broadcast %mul3A_574 : f32 to vector<16xf32>
        %mul3A_576 = arith.mulf %gather3A_573, %mul3A_575 : vector<16xf32>
        %swap3A_577 = arith.index_cast %scan3A_508 : i32 to index
        %swap3A_578 = arith.constant 80 : index
        %swap3A_579 = tpu.vector_load %arg13[%swap3A_577, %swap3A_578] {strides = array<i32>} : memref<64x128xf32, #tpu.memory_space<vmem>>, vector<16xf32>,
        tpu.vector_store %arg13[%swap3A_577, %swap3A_578], %mul3A_576 {strides = array<i32>} : memref<64x128xf32, #tpu.memory_space<vmem>>, vector<16xf32>,
        %add3A_580 = vector.broadcast %scan3A_508 : i32 to vector<16xi32>
        %add3A_581 = arith.addi %get3A_437, %add3A_580 : vector<16xi32>
        %add3A_582 = arith.constant 96 : i32
        %add3A_583 = vector.broadcast %add3A_582 : i32 to vector<16xi32>
        %add3A_584 = arith.addi %iota3A, %add3A_583 : vector<16xi32>
        %gather3A_585 = tpu.vector_load_idx %arg11[%add3A_584, %add3A_581] : memref<128x128xf32, #tpu.memory_space<vmem>>[vector<16xi32>, vector<16xi32>], vector<16xf32>,
        %mul3A_586 = arith.constant 8.000000e+00 : f32
        %mul3A_587 = vector.broadcast %mul3A_586 : f32 to vector<16xf32>
        %mul3A_588 = arith.mulf %gather3A_585, %mul3A_587 : vector<16xf32>
        %swap3A_589 = arith.index_cast %scan3A_508 : i32 to index
        %swap3A_590 = arith.constant 96 : index
        %swap3A_591 = tpu.vector_load %arg13[%swap3A_589, %swap3A_590] {strides = array<i32>} : memref<64x128xf32, #tpu.memory_space<vmem>>, vector<16xf32>,
        tpu.vector_store %arg13[%swap3A_589, %swap3A_590], %mul3A_588 {strides = array<i32>} : memref<64x128xf32, #tpu.memory_space<vmem>>, vector<16xf32>,
        %add3A_592 = vector.broadcast %scan3A_508 : i32 to vector<16xi32>
        %add3A_593 = arith.addi %get3A_439, %add3A_592 : vector<16xi32>
        %add3A_594 = arith.constant 112 : i32
        %add3A_595 = vector.broadcast %add3A_594 : i32 to vector<16xi32>
        %add3A_596 = arith.addi %iota3A, %add3A_595 : vector<16xi32>
        %gather3A_597 = tpu.vector_load_idx %arg11[%add3A_596, %add3A_593] : memref<128x128xf32, #tpu.memory_space<vmem>>[vector<16xi32>, vector<16xi32>], vector<16xf32>,
        %mul3A_598 = arith.constant 8.000000e+00 : f32
        %mul3A_599 = vector.broadcast %mul3A_598 : f32 to vector<16xf32>
        %mul3A_600 = arith.mulf %gather3A_597, %mul3A_599 : vector<16xf32>
        %swap3A_601 = arith.index_cast %scan3A_508 : i32 to index
        %swap3A_602 = arith.constant 112 : index
        %swap3A_603 = tpu.vector_load %arg13[%swap3A_601, %swap3A_602] {strides = array<i32>} : memref<64x128xf32, #tpu.memory_space<vmem>>, vector<16xf32>,
        tpu.vector_store %arg13[%swap3A_601, %swap3A_602], %mul3A_600 {strides = array<i32>} : memref<64x128xf32, #tpu.memory_space<vmem>>, vector<16xf32>,
      }
      %scan3A_445 = arith.constant 64 : i32
      %add3A_446 = arith.addi %mul3A_2, %add3A_408 : i32
      %jit3A_447 = arith.constant 128 : i32
      %div3A_448 = arith.divsi %add3A_446, %jit3A_447 : i32
      %sign3A_449 = arith.constant 0 : i32
      %sign3A_450 = arith.cmpi sgt, %add3A_446, %sign3A_449 : i32
      %sign3A_451 = arith.extui %sign3A_450 : i1 to i32
      %sign3A_452 = arith.constant 0 : i32
      %sign3A_453 = arith.cmpi slt, %add3A_446, %sign3A_452 : i32
      %sign3A_454 = arith.extui %sign3A_453 : i1 to i32
      %sign3A_455 = arith.subi %sign3A_451, %sign3A_454 : i32
      %sign3A_456 = arith.constant 0 : i32
      %sign3A_457 = arith.cmpi sgt, %jit3A_447, %sign3A_456 : i32
      %sign3A_458 = arith.extui %sign3A_457 : i1 to i32
      %sign3A_459 = arith.constant 0 : i32
      %sign3A_460 = arith.cmpi slt, %jit3A_447, %sign3A_459 : i32
      %sign3A_461 = arith.extui %sign3A_460 : i1 to i32
      %sign3A_462 = arith.subi %sign3A_458, %sign3A_461 : i32
      %ne3A_463 = arith.cmpi ne, %sign3A_455, %sign3A_462 : i32
      %rem3A_464 = arith.remsi %add3A_446, %jit3A_447 : i32
      %ne3A_465 = arith.constant 0 : i32
      %ne3A_466 = arith.cmpi ne, %rem3A_464, %ne3A_465 : i32
      %and3A_467 = arith.andi %ne3A_463, %ne3A_466 : i1
      %sub3A_468 = arith.constant 1 : i32
      %sub3A_469 = arith.subi %div3A_448, %sub3A_468 : i32
      %select_n3A_470 = arith.select %and3A_467, %sub3A_469, %div3A_448 : i32
      %add3A_471 = arith.addi %mul3A_2, %add3A_408 : i32
      %add3A_472 = arith.addi %mul3A_2, %add3A_408 : i32
      %jit3A_473 = arith.constant 128 : i32
      %div3A_474 = arith.divsi %add3A_472, %jit3A_473 : i32
      %sign3A_475 = arith.constant 0 : i32
      %sign3A_476 = arith.cmpi sgt, %add3A_472, %sign3A_475 : i32
      %sign3A_477 = arith.extui %sign3A_476 : i1 to i32
      %sign3A_478 = arith.constant 0 : i32
      %sign3A_479 = arith.cmpi slt, %add3A_472, %sign3A_478 : i32
      %sign3A_480 = arith.extui %sign3A_479 : i1 to i32
      %sign3A_481 = arith.subi %sign3A_477, %sign3A_480 : i32
      %sign3A_482 = arith.constant 0 : i32
      %sign3A_483 = arith.cmpi sgt, %jit3A_473, %sign3A_482 : i32
      %sign3A_484 = arith.extui %sign3A_483 : i1 to i32
      %sign3A_485 = arith.constant 0 : i32
      %sign3A_486 = arith.cmpi slt, %jit3A_473, %sign3A_485 : i32
      %sign3A_487 = arith.extui %sign3A_486 : i1 to i32
      %sign3A_488 = arith.subi %sign3A_484, %sign3A_487 : i32
      %ne3A_489 = arith.cmpi ne, %sign3A_481, %sign3A_488 : i32
      %rem3A_490 = arith.remsi %add3A_472, %jit3A_473 : i32
      %ne3A_491 = arith.constant 0 : i32
      %ne3A_492 = arith.cmpi ne, %rem3A_490, %ne3A_491 : i32
      %and3A_493 = arith.andi %ne3A_489, %ne3A_492 : i1
      %sub3A_494 = arith.constant 1 : i32
      %sub3A_495 = arith.subi %div3A_474, %sub3A_494 : i32
      %select_n3A_496 = arith.select %and3A_493, %sub3A_495, %div3A_474 : i32
      %mul3A_497 = arith.constant 128 : i32
      %mul3A_498 = arith.muli %mul3A_497, %select_n3A_496 : i32
      %sub3A_499 = arith.subi %add3A_471, %mul3A_498 : i32
      %mul3A_500 = arith.constant 128 : i32
      %mul3A_501 = arith.muli %sub3A_499, %mul3A_500 : i32
      %dma_start3A_502 = arith.constant 0 : i32
      %dma_start3A_503 = tpu.memref_slice %arg4[%select_n3A_470, %dma_start3A_502, %mul3A_501] : memref<20x64x16384xf32, #tpu.memory_space<hbm>> -> memref<1x64x128xf32, #tpu.memory_space<hbm>>
      %dma_start3A_504 = tpu.memref_squeeze %dma_start3A_503 : memref<1x64x128xf32, #tpu.memory_space<hbm>> -> memref<64x128xf32, #tpu.memory_space<hbm>>
      %dma_start3A_505 = arith.constant 0 : i32
      %dma_start3A_506 = tpu.memref_slice %arg4[%select_n3A_470, %dma_start3A_505, %mul3A_501] : memref<20x64x16384xf32, #tpu.memory_space<hbm>> -> memref<1x64x128xf32, #tpu.memory_space<hbm>>
      %dma_start3A_507 = tpu.memref_squeeze %dma_start3A_506 : memref<1x64x128xf32, #tpu.memory_space<hbm>> -> memref<64x128xf32, #tpu.memory_space<hbm>>
      tpu.enqueue_dma source(%arg13 : memref<64x128xf32, #tpu.memory_space<vmem>>) target(%dma_start3A_507 : memref<64x128xf32, #tpu.memory_space<hbm>>) target_semaphore(%arg17 : memref<!tpu.dma_semaphore, #tpu.memory_space<semaphore_mem>>)
    }
    %scan3A_177 = arith.constant 40 : i32
    %add3A_178 = arith.constant 78 : i32
    %add3A_179 = arith.addi %mul3A_2, %add3A_178 : i32
    %jit3A_180 = arith.constant 128 : i32
    %div3A_181 = arith.divsi %add3A_179, %jit3A_180 : i32
    %sign3A_182 = arith.constant 0 : i32
    %sign3A_183 = arith.cmpi sgt, %add3A_179, %sign3A_182 : i32
    %sign3A_184 = arith.extui %sign3A_183 : i1 to i32
    %sign3A_185 = arith.constant 0 : i32
    %sign3A_186 = arith.cmpi slt, %add3A_179, %sign3A_185 : i32
    %sign3A_187 = arith.extui %sign3A_186 : i1 to i32
    %sign3A_188 = arith.subi %sign3A_184, %sign3A_187 : i32
    %sign3A_189 = arith.constant 0 : i32
    %sign3A_190 = arith.cmpi sgt, %jit3A_180, %sign3A_189 : i32
    %sign3A_191 = arith.extui %sign3A_190 : i1 to i32
    %sign3A_192 = arith.constant 0 : i32
    %sign3A_193 = arith.cmpi slt, %jit3A_180, %sign3A_192 : i32
    %sign3A_194 = arith.extui %sign3A_193 : i1 to i32
    %sign3A_195 = arith.subi %sign3A_191, %sign3A_194 : i32
    %ne3A_196 = arith.cmpi ne, %sign3A_188, %sign3A_195 : i32
    %rem3A_197 = arith.remsi %add3A_179, %jit3A_180 : i32
    %ne3A_198 = arith.constant 0 : i32
    %ne3A_199 = arith.cmpi ne, %rem3A_197, %ne3A_198 : i32
    %and3A_200 = arith.andi %ne3A_196, %ne3A_199 : i1
    %sub3A_201 = arith.constant 1 : i32
    %sub3A_202 = arith.subi %div3A_181, %sub3A_201 : i32
    %select_n3A_203 = arith.select %and3A_200, %sub3A_202, %div3A_181 : i32
    %add3A_204 = arith.constant 78 : i32
    %add3A_205 = arith.addi %mul3A_2, %add3A_204 : i32
    %add3A_206 = arith.constant 78 : i32
    %add3A_207 = arith.addi %mul3A_2, %add3A_206 : i32
    %jit3A_208 = arith.constant 128 : i32
    %div3A_209 = arith.divsi %add3A_207, %jit3A_208 : i32
    %sign3A_210 = arith.constant 0 : i32
    %sign3A_211 = arith.cmpi sgt, %add3A_207, %sign3A_210 : i32
    %sign3A_212 = arith.extui %sign3A_211 : i1 to i32
    %sign3A_213 = arith.constant 0 : i32
    %sign3A_214 = arith.cmpi slt, %add3A_207, %sign3A_213 : i32
    %sign3A_215 = arith.extui %sign3A_214 : i1 to i32
    %sign3A_216 = arith.subi %sign3A_212, %sign3A_215 : i32
    %sign3A_217 = arith.constant 0 : i32
    %sign3A_218 = arith.cmpi sgt, %jit3A_208, %sign3A_217 : i32
    %sign3A_219 = arith.extui %sign3A_218 : i1 to i32
    %sign3A_220 = arith.constant 0 : i32
    %sign3A_221 = arith.cmpi slt, %jit3A_208, %sign3A_220 : i32
    %sign3A_222 = arith.extui %sign3A_221 : i1 to i32
    %sign3A_223 = arith.subi %sign3A_219, %sign3A_222 : i32
    %ne3A_224 = arith.cmpi ne, %sign3A_216, %sign3A_223 : i32
    %rem3A_225 = arith.remsi %add3A_207, %jit3A_208 : i32
    %ne3A_226 = arith.constant 0 : i32
    %ne3A_227 = arith.cmpi ne, %rem3A_225, %ne3A_226 : i32
    %and3A_228 = arith.andi %ne3A_224, %ne3A_227 : i1
    %sub3A_229 = arith.constant 1 : i32
    %sub3A_230 = arith.subi %div3A_209, %sub3A_229 : i32
    %select_n3A_231 = arith.select %and3A_228, %sub3A_230, %div3A_209 : i32
    %mul3A_232 = arith.constant 128 : i32
    %mul3A_233 = arith.muli %mul3A_232, %select_n3A_231 : i32
    %sub3A_234 = arith.subi %add3A_205, %mul3A_233 : i32
    %mul3A_235 = arith.constant 128 : i32
    %mul3A_236 = arith.muli %sub3A_234, %mul3A_235 : i32
    %dma_wait3A = arith.constant 0 : i32
    %dma_wait3A_237 = tpu.memref_slice %arg4[%select_n3A_203, %dma_wait3A, %mul3A_236] : memref<20x64x16384xf32, #tpu.memory_space<hbm>> -> memref<1x64x128xf32, #tpu.memory_space<hbm>>
    %dma_wait3A_238 = tpu.memref_squeeze %dma_wait3A_237 : memref<1x64x128xf32, #tpu.memory_space<hbm>> -> memref<64x128xf32, #tpu.memory_space<hbm>>
    %dma_wait3A_239 = arith.constant 0 : i32
    %dma_wait3A_240 = tpu.memref_slice %arg4[%select_n3A_203, %dma_wait3A_239, %mul3A_236] : memref<20x64x16384xf32, #tpu.memory_space<hbm>> -> memref<1x64x128xf32, #tpu.memory_space<hbm>>
    %dma_wait3A_241 = tpu.memref_squeeze %dma_wait3A_240 : memref<1x64x128xf32, #tpu.memory_space<hbm>> -> memref<64x128xf32, #tpu.memory_space<hbm>>
    tpu.wait_dma2 semaphore(%arg16 : memref<!tpu.dma_semaphore, #tpu.memory_space<semaphore_mem>>) src(%arg12 : memref<64x128xf32, #tpu.memory_space<vmem>>) dst(%dma_wait3A_241 : memref<64x128xf32, #tpu.memory_space<hbm>>)
    %add3A_242 = arith.constant 79 : i32
    %add3A_243 = arith.addi %mul3A_2, %add3A_242 : i32
    %jit3A_244 = arith.constant 128 : i32
    %div3A_245 = arith.divsi %add3A_243, %jit3A_244 : i32
    %sign3A_246 = arith.constant 0 : i32
    %sign3A_247 = arith.cmpi sgt, %add3A_243, %sign3A_246 : i32
    %sign3A_248 = arith.extui %sign3A_247 : i1 to i32
    %sign3A_249 = arith.constant 0 : i32
    %sign3A_250 = arith.cmpi slt, %add3A_243, %sign3A_249 : i32
    %sign3A_251 = arith.extui %sign3A_250 : i1 to i32
    %sign3A_252 = arith.subi %sign3A_248, %sign3A_251 : i32
    %sign3A_253 = arith.constant 0 : i32
    %sign3A_254 = arith.cmpi sgt, %jit3A_244, %sign3A_253 : i32
    %sign3A_255 = arith.extui %sign3A_254 : i1 to i32
    %sign3A_256 = arith.constant 0 : i32
    %sign3A_257 = arith.cmpi slt, %jit3A_244, %sign3A_256 : i32
    %sign3A_258 = arith.extui %sign3A_257 : i1 to i32
    %sign3A_259 = arith.subi %sign3A_255, %sign3A_258 : i32
    %ne3A_260 = arith.cmpi ne, %sign3A_252, %sign3A_259 : i32
    %rem3A_261 = arith.remsi %add3A_243, %jit3A_244 : i32
    %ne3A_262 = arith.constant 0 : i32
    %ne3A_263 = arith.cmpi ne, %rem3A_261, %ne3A_262 : i32
    %and3A_264 = arith.andi %ne3A_260, %ne3A_263 : i1
    %sub3A_265 = arith.constant 1 : i32
    %sub3A_266 = arith.subi %div3A_245, %sub3A_265 : i32
    %select_n3A_267 = arith.select %and3A_264, %sub3A_266, %div3A_245 : i32
    %add3A_268 = arith.constant 79 : i32
    %add3A_269 = arith.addi %mul3A_2, %add3A_268 : i32
    %add3A_270 = arith.constant 79 : i32
    %add3A_271 = arith.addi %mul3A_2, %add3A_270 : i32
    %jit3A_272 = arith.constant 128 : i32
    %div3A_273 = arith.divsi %add3A_271, %jit3A_272 : i32
    %sign3A_274 = arith.constant 0 : i32
    %sign3A_275 = arith.cmpi sgt, %add3A_271, %sign3A_274 : i32
    %sign3A_276 = arith.extui %sign3A_275 : i1 to i32
    %sign3A_277 = arith.constant 0 : i32
    %sign3A_278 = arith.cmpi slt, %add3A_271, %sign3A_277 : i32
    %sign3A_279 = arith.extui %sign3A_278 : i1 to i32
    %sign3A_280 = arith.subi %sign3A_276, %sign3A_279 : i32
    %sign3A_281 = arith.constant 0 : i32
    %sign3A_282 = arith.cmpi sgt, %jit3A_272, %sign3A_281 : i32
    %sign3A_283 = arith.extui %sign3A_282 : i1 to i32
    %sign3A_284 = arith.constant 0 : i32
    %sign3A_285 = arith.cmpi slt, %jit3A_272, %sign3A_284 : i32
    %sign3A_286 = arith.extui %sign3A_285 : i1 to i32
    %sign3A_287 = arith.subi %sign3A_283, %sign3A_286 : i32
    %ne3A_288 = arith.cmpi ne, %sign3A_280, %sign3A_287 : i32
    %rem3A_289 = arith.remsi %add3A_271, %jit3A_272 : i32
    %ne3A_290 = arith.constant 0 : i32
    %ne3A_291 = arith.cmpi ne, %rem3A_289, %ne3A_290 : i32
    %and3A_292 = arith.andi %ne3A_288, %ne3A_291 : i1
    %sub3A_293 = arith.constant 1 : i32
    %sub3A_294 = arith.subi %div3A_273, %sub3A_293 : i32
    %select_n3A_295 = arith.select %and3A_292, %sub3A_294, %div3A_273 : i32
    %mul3A_296 = arith.constant 128 : i32
    %mul3A_297 = arith.muli %mul3A_296, %select_n3A_295 : i32
    %sub3A_298 = arith.subi %add3A_269, %mul3A_297 : i32
    %mul3A_299 = arith.constant 128 : i32
    %mul3A_300 = arith.muli %sub3A_298, %mul3A_299 : i32
    %dma_wait3A_301 = arith.constant 0 : i32
    %dma_wait3A_302 = tpu.memref_slice %arg4[%select_n3A_267, %dma_wait3A_301, %mul3A_300] : memref<20x64x16384xf32, #tpu.memory_space<hbm>> -> memref<1x64x128xf32, #tpu.memory_space<hbm>>
    %dma_wait3A_303 = tpu.memref_squeeze %dma_wait3A_302 : memref<1x64x128xf32, #tpu.memory_space<hbm>> -> memref<64x128xf32, #tpu.memory_space<hbm>>
    %dma_wait3A_304 = arith.constant 0 : i32
    %dma_wait3A_305 = tpu.memref_slice %arg4[%select_n3A_267, %dma_wait3A_304, %mul3A_300] : memref<20x64x16384xf32, #tpu.memory_space<hbm>> -> memref<1x64x128xf32, #tpu.memory_space<hbm>>
    %dma_wait3A_306 = tpu.memref_squeeze %dma_wait3A_305 : memref<1x64x128xf32, #tpu.memory_space<hbm>> -> memref<64x128xf32, #tpu.memory_space<hbm>>
    tpu.wait_dma2 semaphore(%arg17 : memref<!tpu.dma_semaphore, #tpu.memory_space<semaphore_mem>>) src(%arg13 : memref<64x128xf32, #tpu.memory_space<vmem>>) dst(%dma_wait3A_306 : memref<64x128xf32, #tpu.memory_space<hbm>>)
    return
  }
}

#map = affine_map<(d0, d1) -> (0, 0)>
module attributes {stable_mosaic.version = 14 : i64} {
  func.func @k(%arg0: i32, %arg1: i32, %arg2: memref<64x1000000xf32, #tpu.memory_space<hbm>>, %arg3: memref<500032x128xf32, #tpu.memory_space<hbm>>, %arg4: memref<64x128xf32, #tpu.memory_space<vmem>>, %arg5: memref<64x128xf32, #tpu.memory_space<vmem>>, %arg6: memref<64x128xf32, #tpu.memory_space<vmem>>, %arg7: memref<64x128xf32, #tpu.memory_space<vmem>>, %arg8: memref<!tpu.dma_semaphore, #tpu.memory_space<semaphore_mem>>, %arg9: memref<!tpu.dma_semaphore, #tpu.memory_space<semaphore_mem>>, %arg10: memref<!tpu.dma_semaphore, #tpu.memory_space<semaphore_mem>>, %arg11: memref<!tpu.dma_semaphore, #tpu.memory_space<semaphore_mem>>) attributes {dimension_semantics = [#tpu.dimension_semantics<core_parallel>, #tpu.dimension_semantics<subcore_parallel>], iteration_bounds = array<i64: 2, 16>, scalar_prefetch = 0 : i64, scratch_operands = 8 : i64, tpu.core_type = #tpu.core_type<sc_vector_subcore>, window_params = [{transform_indices = #map}, {transform_indices = #map}]} {
    %mul3A = arith.constant 2 : i32
    %mul3A_0 = arith.muli %arg1, %mul3A : i32
    %add3A = arith.addi %mul3A_0, %arg0 : i32
    %mul3A_1 = arith.constant 245 : i32
    %mul3A_2 = arith.muli %add3A, %mul3A_1 : i32
    %iota3A = tpu.iota {dimensions = array<i32: 0>} : vector<16xi32>
    %broadcast_in_dim3A = arith.constant 0 : i32
    %broadcast_in_dim3A_3 = vector.broadcast %broadcast_in_dim3A : i32 to vector<16xi32>
    %add3A_4 = arith.constant 0 : i32
    %add3A_5 = arith.addi %mul3A_2, %add3A_4 : i32
    %lt3A = arith.constant 7813 : i32
    %lt3A_6 = arith.cmpi slt, %add3A_5, %lt3A : i32
    %and3A = arith.constant true
    %and3A_7 = arith.andi %lt3A_6, %and3A : i1
    %convert_element_type3A = arith.extui %and3A_7 : i1 to i32
    %cond3A = arith.constant 0 : i32
    %cond3A_8 = arith.cmpi ne, %convert_element_type3A, %cond3A : i32
    scf.if %cond3A_8 {
      %add3A_32 = arith.constant 0 : i32
      %add3A_33 = arith.addi %mul3A_2, %add3A_32 : i32
      %mul3A_34 = arith.constant 128 : i32
      %mul3A_35 = arith.muli %add3A_33, %mul3A_34 : i32
      %dma_start3A = arith.constant 0 : i32
      %dma_start3A_36 = tpu.memref_slice %arg2[%dma_start3A, %mul3A_35] : memref<64x1000000xf32, #tpu.memory_space<hbm>> -> memref<64x128xf32, #tpu.memory_space<hbm>>
      %dma_start3A_37 = arith.constant 0 : i32
      %dma_start3A_38 = tpu.memref_slice %arg2[%dma_start3A_37, %mul3A_35] : memref<64x1000000xf32, #tpu.memory_space<hbm>> -> memref<64x128xf32, #tpu.memory_space<hbm>>
      tpu.enqueue_dma source(%dma_start3A_38 : memref<64x128xf32, #tpu.memory_space<hbm>>) target(%arg4 : memref<64x128xf32, #tpu.memory_space<vmem>>) target_semaphore(%arg8 : memref<!tpu.dma_semaphore, #tpu.memory_space<semaphore_mem>>)
    } else {
    }
    %scan3A = arith.constant 0 : i32
    %scan3A_9 = arith.constant 0 : i32
    %scan3A_10 = arith.constant 123 : i32
    %scan3A_11 = arith.addi %scan3A_9, %scan3A_10 : i32
    %scan3A_12 = arith.constant 1 : i32
    scf.for %scan3A_32 = %scan3A_9 to %scan3A_11 step %scan3A_12  : i32 {
      %mul3A_33 = arith.constant 2 : i32
      %mul3A_34 = arith.muli %mul3A_33, %scan3A_32 : i32
      %add3A_35 = arith.addi %mul3A_2, %mul3A_34 : i32
      %lt3A_36 = arith.constant 7813 : i32
      %lt3A_37 = arith.cmpi slt, %add3A_35, %lt3A_36 : i32
      %lt3A_38 = arith.constant 245 : i32
      %lt3A_39 = arith.cmpi slt, %mul3A_34, %lt3A_38 : i32
      %and3A_40 = arith.andi %lt3A_37, %lt3A_39 : i1
      %convert_element_type3A_41 = arith.extui %and3A_40 : i1 to i32
      %cond3A_42 = arith.constant 0 : i32
      %cond3A_43 = arith.cmpi ne, %convert_element_type3A_41, %cond3A_42 : i32
      scf.if %cond3A_43 {
        %add3A_57 = arith.constant 1 : i32
        %add3A_58 = arith.addi %mul3A_34, %add3A_57 : i32
        %add3A_59 = arith.addi %mul3A_2, %add3A_58 : i32
        %lt3A_60 = arith.constant 7813 : i32
        %lt3A_61 = arith.cmpi slt, %add3A_59, %lt3A_60 : i32
        %lt3A_62 = arith.constant 245 : i32
        %lt3A_63 = arith.cmpi slt, %add3A_58, %lt3A_62 : i32
        %and3A_64 = arith.andi %lt3A_61, %lt3A_63 : i1
        %convert_element_type3A_65 = arith.extui %and3A_64 : i1 to i32
        %cond3A_66 = arith.constant 0 : i32
        %cond3A_67 = arith.cmpi ne, %convert_element_type3A_65, %cond3A_66 : i32
        scf.if %cond3A_67 {
          %add3A_90 = arith.constant 1 : i32
          %add3A_91 = arith.addi %mul3A_34, %add3A_90 : i32
          %add3A_92 = arith.addi %mul3A_2, %add3A_91 : i32
          %mul3A_93 = arith.constant 128 : i32
          %mul3A_94 = arith.muli %add3A_92, %mul3A_93 : i32
          %dma_start3A_95 = arith.constant 0 : i32
          %dma_start3A_96 = tpu.memref_slice %arg2[%dma_start3A_95, %mul3A_94] : memref<64x1000000xf32, #tpu.memory_space<hbm>> -> memref<64x128xf32, #tpu.memory_space<hbm>>
          %dma_start3A_97 = arith.constant 0 : i32
          %dma_start3A_98 = tpu.memref_slice %arg2[%dma_start3A_97, %mul3A_94] : memref<64x1000000xf32, #tpu.memory_space<hbm>> -> memref<64x128xf32, #tpu.memory_space<hbm>>
          tpu.enqueue_dma source(%dma_start3A_98 : memref<64x128xf32, #tpu.memory_space<hbm>>) target(%arg5 : memref<64x128xf32, #tpu.memory_space<vmem>>) target_semaphore(%arg9 : memref<!tpu.dma_semaphore, #tpu.memory_space<semaphore_mem>>)
        } else {
        }
        %add3A_68 = arith.addi %mul3A_2, %mul3A_34 : i32
        %mul3A_69 = arith.constant 128 : i32
        %mul3A_70 = arith.muli %add3A_68, %mul3A_69 : i32
        %dma_wait3A = arith.constant 0 : i32
        %dma_wait3A_71 = tpu.memref_slice %arg2[%dma_wait3A, %mul3A_70] : memref<64x1000000xf32, #tpu.memory_space<hbm>> -> memref<64x128xf32, #tpu.memory_space<hbm>>
        %dma_wait3A_72 = arith.constant 0 : i32
        %dma_wait3A_73 = tpu.memref_slice %arg2[%dma_wait3A_72, %mul3A_70] : memref<64x1000000xf32, #tpu.memory_space<hbm>> -> memref<64x128xf32, #tpu.memory_space<hbm>>
        tpu.wait_dma2 semaphore(%arg8 : memref<!tpu.dma_semaphore, #tpu.memory_space<semaphore_mem>>) src(%dma_wait3A_73 : memref<64x128xf32, #tpu.memory_space<hbm>>) dst(%arg4 : memref<64x128xf32, #tpu.memory_space<vmem>>)
        %ge3A = arith.constant 2 : i32
        %ge3A_74 = arith.cmpi sge, %mul3A_34, %ge3A : i32
        %convert_element_type3A_75 = arith.extui %ge3A_74 : i1 to i32
        %cond3A_76 = arith.constant 0 : i32
        %cond3A_77 = arith.cmpi ne, %convert_element_type3A_75, %cond3A_76 : i32
        scf.if %cond3A_77 {
          %sub3A = arith.constant 2 : i32
          %sub3A_90 = arith.subi %mul3A_34, %sub3A : i32
          %add3A_91 = arith.addi %mul3A_2, %sub3A_90 : i32
          %mul3A_92 = arith.constant 64 : i32
          %mul3A_93 = arith.muli %add3A_91, %mul3A_92 : i32
          %dma_wait3A_94 = arith.constant 0 : i32
          %dma_wait3A_95 = tpu.memref_slice %arg3[%mul3A_93, %dma_wait3A_94] : memref<500032x128xf32, #tpu.memory_space<hbm>> -> memref<64x128xf32, #tpu.memory_space<hbm>>
          %dma_wait3A_96 = arith.constant 0 : i32
          %dma_wait3A_97 = tpu.memref_slice %arg3[%mul3A_93, %dma_wait3A_96] : memref<500032x128xf32, #tpu.memory_space<hbm>> -> memref<64x128xf32, #tpu.memory_space<hbm>>
          tpu.wait_dma2 semaphore(%arg10 : memref<!tpu.dma_semaphore, #tpu.memory_space<semaphore_mem>>) src(%arg6 : memref<64x128xf32, #tpu.memory_space<vmem>>) dst(%dma_wait3A_97 : memref<64x128xf32, #tpu.memory_space<hbm>>)
        } else {
        }
        %scan3A_78 = arith.constant 0 : i32
        %scan3A_79 = arith.constant 0 : i32
        %scan3A_80 = arith.constant 64 : i32
        %scan3A_81 = arith.addi %scan3A_79, %scan3A_80 : i32
        %scan3A_82 = arith.constant 1 : i32
        scf.for %scan3A_90 = %scan3A_79 to %scan3A_81 step %scan3A_82  : i32 {
          %mul3A_91 = arith.constant 2 : i32
          %mul3A_92 = arith.muli %mul3A_91, %scan3A_90 : i32
          %add3A_93 = vector.broadcast %mul3A_92 : i32 to vector<16xi32>
          %add3A_94 = arith.addi %broadcast_in_dim3A_3, %add3A_93 : vector<16xi32>
          %mul3A_95 = arith.constant 2 : i32
          %mul3A_96 = arith.muli %mul3A_95, %scan3A_90 : i32
          %add3A_97 = arith.constant 1 : i32
          %add3A_98 = arith.addi %mul3A_96, %add3A_97 : i32
          %add3A_99 = vector.broadcast %add3A_98 : i32 to vector<16xi32>
          %add3A_100 = arith.addi %broadcast_in_dim3A_3, %add3A_99 : vector<16xi32>
          %add3A_101 = arith.constant 0 : i32
          %add3A_102 = vector.broadcast %add3A_101 : i32 to vector<16xi32>
          %add3A_103 = arith.addi %iota3A, %add3A_102 : vector<16xi32>
          %gather3A = tpu.vector_load_idx %arg4[%add3A_103, %add3A_94] : memref<64x128xf32, #tpu.memory_space<vmem>>[vector<16xi32>, vector<16xi32>], vector<16xf32>,
          %gather3A_104 = tpu.vector_load_idx %arg4[%add3A_103, %add3A_100] : memref<64x128xf32, #tpu.memory_space<vmem>>[vector<16xi32>, vector<16xi32>], vector<16xf32>,
          %swap3A = arith.index_cast %scan3A_90 : i32 to index
          %swap3A_105 = arith.constant 0 : index
          %swap3A_106 = tpu.vector_load %arg6[%swap3A, %swap3A_105] {strides = array<i32>} : memref<64x128xf32, #tpu.memory_space<vmem>>, vector<16xf32>,
          tpu.vector_store %arg6[%swap3A, %swap3A_105], %gather3A {strides = array<i32>} : memref<64x128xf32, #tpu.memory_space<vmem>>, vector<16xf32>,
          %swap3A_107 = arith.index_cast %scan3A_90 : i32 to index
          %swap3A_108 = arith.constant 64 : index
          %swap3A_109 = tpu.vector_load %arg6[%swap3A_107, %swap3A_108] {strides = array<i32>} : memref<64x128xf32, #tpu.memory_space<vmem>>, vector<16xf32>,
          tpu.vector_store %arg6[%swap3A_107, %swap3A_108], %gather3A_104 {strides = array<i32>} : memref<64x128xf32, #tpu.memory_space<vmem>>, vector<16xf32>,
          %add3A_110 = arith.constant 16 : i32
          %add3A_111 = vector.broadcast %add3A_110 : i32 to vector<16xi32>
          %add3A_112 = arith.addi %iota3A, %add3A_111 : vector<16xi32>
          %gather3A_113 = tpu.vector_load_idx %arg4[%add3A_112, %add3A_94] : memref<64x128xf32, #tpu.memory_space<vmem>>[vector<16xi32>, vector<16xi32>], vector<16xf32>,
          %gather3A_114 = tpu.vector_load_idx %arg4[%add3A_112, %add3A_100] : memref<64x128xf32, #tpu.memory_space<vmem>>[vector<16xi32>, vector<16xi32>], vector<16xf32>,
          %swap3A_115 = arith.index_cast %scan3A_90 : i32 to index
          %swap3A_116 = arith.constant 16 : index
          %swap3A_117 = tpu.vector_load %arg6[%swap3A_115, %swap3A_116] {strides = array<i32>} : memref<64x128xf32, #tpu.memory_space<vmem>>, vector<16xf32>,
          tpu.vector_store %arg6[%swap3A_115, %swap3A_116], %gather3A_113 {strides = array<i32>} : memref<64x128xf32, #tpu.memory_space<vmem>>, vector<16xf32>,
          %swap3A_118 = arith.index_cast %scan3A_90 : i32 to index
          %swap3A_119 = arith.constant 80 : index
          %swap3A_120 = tpu.vector_load %arg6[%swap3A_118, %swap3A_119] {strides = array<i32>} : memref<64x128xf32, #tpu.memory_space<vmem>>, vector<16xf32>,
          tpu.vector_store %arg6[%swap3A_118, %swap3A_119], %gather3A_114 {strides = array<i32>} : memref<64x128xf32, #tpu.memory_space<vmem>>, vector<16xf32>,
          %add3A_121 = arith.constant 32 : i32
          %add3A_122 = vector.broadcast %add3A_121 : i32 to vector<16xi32>
          %add3A_123 = arith.addi %iota3A, %add3A_122 : vector<16xi32>
          %gather3A_124 = tpu.vector_load_idx %arg4[%add3A_123, %add3A_94] : memref<64x128xf32, #tpu.memory_space<vmem>>[vector<16xi32>, vector<16xi32>], vector<16xf32>,
          %gather3A_125 = tpu.vector_load_idx %arg4[%add3A_123, %add3A_100] : memref<64x128xf32, #tpu.memory_space<vmem>>[vector<16xi32>, vector<16xi32>], vector<16xf32>,
          %swap3A_126 = arith.index_cast %scan3A_90 : i32 to index
          %swap3A_127 = arith.constant 32 : index
          %swap3A_128 = tpu.vector_load %arg6[%swap3A_126, %swap3A_127] {strides = array<i32>} : memref<64x128xf32, #tpu.memory_space<vmem>>, vector<16xf32>,
          tpu.vector_store %arg6[%swap3A_126, %swap3A_127], %gather3A_124 {strides = array<i32>} : memref<64x128xf32, #tpu.memory_space<vmem>>, vector<16xf32>,
          %swap3A_129 = arith.index_cast %scan3A_90 : i32 to index
          %swap3A_130 = arith.constant 96 : index
          %swap3A_131 = tpu.vector_load %arg6[%swap3A_129, %swap3A_130] {strides = array<i32>} : memref<64x128xf32, #tpu.memory_space<vmem>>, vector<16xf32>,
          tpu.vector_store %arg6[%swap3A_129, %swap3A_130], %gather3A_125 {strides = array<i32>} : memref<64x128xf32, #tpu.memory_space<vmem>>, vector<16xf32>,
          %add3A_132 = arith.constant 48 : i32
          %add3A_133 = vector.broadcast %add3A_132 : i32 to vector<16xi32>
          %add3A_134 = arith.addi %iota3A, %add3A_133 : vector<16xi32>
          %gather3A_135 = tpu.vector_load_idx %arg4[%add3A_134, %add3A_94] : memref<64x128xf32, #tpu.memory_space<vmem>>[vector<16xi32>, vector<16xi32>], vector<16xf32>,
          %gather3A_136 = tpu.vector_load_idx %arg4[%add3A_134, %add3A_100] : memref<64x128xf32, #tpu.memory_space<vmem>>[vector<16xi32>, vector<16xi32>], vector<16xf32>,
          %swap3A_137 = arith.index_cast %scan3A_90 : i32 to index
          %swap3A_138 = arith.constant 48 : index
          %swap3A_139 = tpu.vector_load %arg6[%swap3A_137, %swap3A_138] {strides = array<i32>} : memref<64x128xf32, #tpu.memory_space<vmem>>, vector<16xf32>,
          tpu.vector_store %arg6[%swap3A_137, %swap3A_138], %gather3A_135 {strides = array<i32>} : memref<64x128xf32, #tpu.memory_space<vmem>>, vector<16xf32>,
          %swap3A_140 = arith.index_cast %scan3A_90 : i32 to index
          %swap3A_141 = arith.constant 112 : index
          %swap3A_142 = tpu.vector_load %arg6[%swap3A_140, %swap3A_141] {strides = array<i32>} : memref<64x128xf32, #tpu.memory_space<vmem>>, vector<16xf32>,
          tpu.vector_store %arg6[%swap3A_140, %swap3A_141], %gather3A_136 {strides = array<i32>} : memref<64x128xf32, #tpu.memory_space<vmem>>, vector<16xf32>,
        }
        %scan3A_83 = arith.constant 64 : i32
        %add3A_84 = arith.addi %mul3A_2, %mul3A_34 : i32
        %mul3A_85 = arith.constant 64 : i32
        %mul3A_86 = arith.muli %add3A_84, %mul3A_85 : i32
        %dma_start3A = arith.constant 0 : i32
        %dma_start3A_87 = tpu.memref_slice %arg3[%mul3A_86, %dma_start3A] : memref<500032x128xf32, #tpu.memory_space<hbm>> -> memref<64x128xf32, #tpu.memory_space<hbm>>
        %dma_start3A_88 = arith.constant 0 : i32
        %dma_start3A_89 = tpu.memref_slice %arg3[%mul3A_86, %dma_start3A_88] : memref<500032x128xf32, #tpu.memory_space<hbm>> -> memref<64x128xf32, #tpu.memory_space<hbm>>
        tpu.enqueue_dma source(%arg6 : memref<64x128xf32, #tpu.memory_space<vmem>>) target(%dma_start3A_89 : memref<64x128xf32, #tpu.memory_space<hbm>>) target_semaphore(%arg10 : memref<!tpu.dma_semaphore, #tpu.memory_space<semaphore_mem>>)
      } else {
      }
      %mul3A_44 = arith.constant 2 : i32
      %mul3A_45 = arith.muli %mul3A_44, %scan3A_32 : i32
      %add3A_46 = arith.constant 1 : i32
      %add3A_47 = arith.addi %mul3A_45, %add3A_46 : i32
      %add3A_48 = arith.addi %mul3A_2, %add3A_47 : i32
      %lt3A_49 = arith.constant 7813 : i32
      %lt3A_50 = arith.cmpi slt, %add3A_48, %lt3A_49 : i32
      %lt3A_51 = arith.constant 245 : i32
      %lt3A_52 = arith.cmpi slt, %add3A_47, %lt3A_51 : i32
      %and3A_53 = arith.andi %lt3A_50, %lt3A_52 : i1
      %convert_element_type3A_54 = arith.extui %and3A_53 : i1 to i32
      %cond3A_55 = arith.constant 0 : i32
      %cond3A_56 = arith.cmpi ne, %convert_element_type3A_54, %cond3A_55 : i32
      scf.if %cond3A_56 {
        %add3A_57 = arith.constant 1 : i32
        %add3A_58 = arith.addi %add3A_47, %add3A_57 : i32
        %add3A_59 = arith.addi %mul3A_2, %add3A_58 : i32
        %lt3A_60 = arith.constant 7813 : i32
        %lt3A_61 = arith.cmpi slt, %add3A_59, %lt3A_60 : i32
        %lt3A_62 = arith.constant 245 : i32
        %lt3A_63 = arith.cmpi slt, %add3A_58, %lt3A_62 : i32
        %and3A_64 = arith.andi %lt3A_61, %lt3A_63 : i1
        %convert_element_type3A_65 = arith.extui %and3A_64 : i1 to i32
        %cond3A_66 = arith.constant 0 : i32
        %cond3A_67 = arith.cmpi ne, %convert_element_type3A_65, %cond3A_66 : i32
        scf.if %cond3A_67 {
          %add3A_90 = arith.constant 1 : i32
          %add3A_91 = arith.addi %add3A_47, %add3A_90 : i32
          %add3A_92 = arith.addi %mul3A_2, %add3A_91 : i32
          %mul3A_93 = arith.constant 128 : i32
          %mul3A_94 = arith.muli %add3A_92, %mul3A_93 : i32
          %dma_start3A_95 = arith.constant 0 : i32
          %dma_start3A_96 = tpu.memref_slice %arg2[%dma_start3A_95, %mul3A_94] : memref<64x1000000xf32, #tpu.memory_space<hbm>> -> memref<64x128xf32, #tpu.memory_space<hbm>>
          %dma_start3A_97 = arith.constant 0 : i32
          %dma_start3A_98 = tpu.memref_slice %arg2[%dma_start3A_97, %mul3A_94] : memref<64x1000000xf32, #tpu.memory_space<hbm>> -> memref<64x128xf32, #tpu.memory_space<hbm>>
          tpu.enqueue_dma source(%dma_start3A_98 : memref<64x128xf32, #tpu.memory_space<hbm>>) target(%arg4 : memref<64x128xf32, #tpu.memory_space<vmem>>) target_semaphore(%arg8 : memref<!tpu.dma_semaphore, #tpu.memory_space<semaphore_mem>>)
        } else {
        }
        %add3A_68 = arith.addi %mul3A_2, %add3A_47 : i32
        %mul3A_69 = arith.constant 128 : i32
        %mul3A_70 = arith.muli %add3A_68, %mul3A_69 : i32
        %dma_wait3A = arith.constant 0 : i32
        %dma_wait3A_71 = tpu.memref_slice %arg2[%dma_wait3A, %mul3A_70] : memref<64x1000000xf32, #tpu.memory_space<hbm>> -> memref<64x128xf32, #tpu.memory_space<hbm>>
        %dma_wait3A_72 = arith.constant 0 : i32
        %dma_wait3A_73 = tpu.memref_slice %arg2[%dma_wait3A_72, %mul3A_70] : memref<64x1000000xf32, #tpu.memory_space<hbm>> -> memref<64x128xf32, #tpu.memory_space<hbm>>
        tpu.wait_dma2 semaphore(%arg9 : memref<!tpu.dma_semaphore, #tpu.memory_space<semaphore_mem>>) src(%dma_wait3A_73 : memref<64x128xf32, #tpu.memory_space<hbm>>) dst(%arg5 : memref<64x128xf32, #tpu.memory_space<vmem>>)
        %ge3A = arith.constant 2 : i32
        %ge3A_74 = arith.cmpi sge, %add3A_47, %ge3A : i32
        %convert_element_type3A_75 = arith.extui %ge3A_74 : i1 to i32
        %cond3A_76 = arith.constant 0 : i32
        %cond3A_77 = arith.cmpi ne, %convert_element_type3A_75, %cond3A_76 : i32
        scf.if %cond3A_77 {
          %sub3A = arith.constant 2 : i32
          %sub3A_90 = arith.subi %add3A_47, %sub3A : i32
          %add3A_91 = arith.addi %mul3A_2, %sub3A_90 : i32
          %mul3A_92 = arith.constant 64 : i32
          %mul3A_93 = arith.muli %add3A_91, %mul3A_92 : i32
          %dma_wait3A_94 = arith.constant 0 : i32
          %dma_wait3A_95 = tpu.memref_slice %arg3[%mul3A_93, %dma_wait3A_94] : memref<500032x128xf32, #tpu.memory_space<hbm>> -> memref<64x128xf32, #tpu.memory_space<hbm>>
          %dma_wait3A_96 = arith.constant 0 : i32
          %dma_wait3A_97 = tpu.memref_slice %arg3[%mul3A_93, %dma_wait3A_96] : memref<500032x128xf32, #tpu.memory_space<hbm>> -> memref<64x128xf32, #tpu.memory_space<hbm>>
          tpu.wait_dma2 semaphore(%arg11 : memref<!tpu.dma_semaphore, #tpu.memory_space<semaphore_mem>>) src(%arg7 : memref<64x128xf32, #tpu.memory_space<vmem>>) dst(%dma_wait3A_97 : memref<64x128xf32, #tpu.memory_space<hbm>>)
        } else {
        }
        %scan3A_78 = arith.constant 0 : i32
        %scan3A_79 = arith.constant 0 : i32
        %scan3A_80 = arith.constant 64 : i32
        %scan3A_81 = arith.addi %scan3A_79, %scan3A_80 : i32
        %scan3A_82 = arith.constant 1 : i32
        scf.for %scan3A_90 = %scan3A_79 to %scan3A_81 step %scan3A_82  : i32 {
          %mul3A_91 = arith.constant 2 : i32
          %mul3A_92 = arith.muli %mul3A_91, %scan3A_90 : i32
          %add3A_93 = vector.broadcast %mul3A_92 : i32 to vector<16xi32>
          %add3A_94 = arith.addi %broadcast_in_dim3A_3, %add3A_93 : vector<16xi32>
          %mul3A_95 = arith.constant 2 : i32
          %mul3A_96 = arith.muli %mul3A_95, %scan3A_90 : i32
          %add3A_97 = arith.constant 1 : i32
          %add3A_98 = arith.addi %mul3A_96, %add3A_97 : i32
          %add3A_99 = vector.broadcast %add3A_98 : i32 to vector<16xi32>
          %add3A_100 = arith.addi %broadcast_in_dim3A_3, %add3A_99 : vector<16xi32>
          %add3A_101 = arith.constant 0 : i32
          %add3A_102 = vector.broadcast %add3A_101 : i32 to vector<16xi32>
          %add3A_103 = arith.addi %iota3A, %add3A_102 : vector<16xi32>
          %gather3A = tpu.vector_load_idx %arg5[%add3A_103, %add3A_94] : memref<64x128xf32, #tpu.memory_space<vmem>>[vector<16xi32>, vector<16xi32>], vector<16xf32>,
          %gather3A_104 = tpu.vector_load_idx %arg5[%add3A_103, %add3A_100] : memref<64x128xf32, #tpu.memory_space<vmem>>[vector<16xi32>, vector<16xi32>], vector<16xf32>,
          %swap3A = arith.index_cast %scan3A_90 : i32 to index
          %swap3A_105 = arith.constant 0 : index
          %swap3A_106 = tpu.vector_load %arg7[%swap3A, %swap3A_105] {strides = array<i32>} : memref<64x128xf32, #tpu.memory_space<vmem>>, vector<16xf32>,
          tpu.vector_store %arg7[%swap3A, %swap3A_105], %gather3A {strides = array<i32>} : memref<64x128xf32, #tpu.memory_space<vmem>>, vector<16xf32>,
          %swap3A_107 = arith.index_cast %scan3A_90 : i32 to index
          %swap3A_108 = arith.constant 64 : index
          %swap3A_109 = tpu.vector_load %arg7[%swap3A_107, %swap3A_108] {strides = array<i32>} : memref<64x128xf32, #tpu.memory_space<vmem>>, vector<16xf32>,
          tpu.vector_store %arg7[%swap3A_107, %swap3A_108], %gather3A_104 {strides = array<i32>} : memref<64x128xf32, #tpu.memory_space<vmem>>, vector<16xf32>,
          %add3A_110 = arith.constant 16 : i32
          %add3A_111 = vector.broadcast %add3A_110 : i32 to vector<16xi32>
          %add3A_112 = arith.addi %iota3A, %add3A_111 : vector<16xi32>
          %gather3A_113 = tpu.vector_load_idx %arg5[%add3A_112, %add3A_94] : memref<64x128xf32, #tpu.memory_space<vmem>>[vector<16xi32>, vector<16xi32>], vector<16xf32>,
          %gather3A_114 = tpu.vector_load_idx %arg5[%add3A_112, %add3A_100] : memref<64x128xf32, #tpu.memory_space<vmem>>[vector<16xi32>, vector<16xi32>], vector<16xf32>,
          %swap3A_115 = arith.index_cast %scan3A_90 : i32 to index
          %swap3A_116 = arith.constant 16 : index
          %swap3A_117 = tpu.vector_load %arg7[%swap3A_115, %swap3A_116] {strides = array<i32>} : memref<64x128xf32, #tpu.memory_space<vmem>>, vector<16xf32>,
          tpu.vector_store %arg7[%swap3A_115, %swap3A_116], %gather3A_113 {strides = array<i32>} : memref<64x128xf32, #tpu.memory_space<vmem>>, vector<16xf32>,
          %swap3A_118 = arith.index_cast %scan3A_90 : i32 to index
          %swap3A_119 = arith.constant 80 : index
          %swap3A_120 = tpu.vector_load %arg7[%swap3A_118, %swap3A_119] {strides = array<i32>} : memref<64x128xf32, #tpu.memory_space<vmem>>, vector<16xf32>,
          tpu.vector_store %arg7[%swap3A_118, %swap3A_119], %gather3A_114 {strides = array<i32>} : memref<64x128xf32, #tpu.memory_space<vmem>>, vector<16xf32>,
          %add3A_121 = arith.constant 32 : i32
          %add3A_122 = vector.broadcast %add3A_121 : i32 to vector<16xi32>
          %add3A_123 = arith.addi %iota3A, %add3A_122 : vector<16xi32>
          %gather3A_124 = tpu.vector_load_idx %arg5[%add3A_123, %add3A_94] : memref<64x128xf32, #tpu.memory_space<vmem>>[vector<16xi32>, vector<16xi32>], vector<16xf32>,
          %gather3A_125 = tpu.vector_load_idx %arg5[%add3A_123, %add3A_100] : memref<64x128xf32, #tpu.memory_space<vmem>>[vector<16xi32>, vector<16xi32>], vector<16xf32>,
          %swap3A_126 = arith.index_cast %scan3A_90 : i32 to index
          %swap3A_127 = arith.constant 32 : index
          %swap3A_128 = tpu.vector_load %arg7[%swap3A_126, %swap3A_127] {strides = array<i32>} : memref<64x128xf32, #tpu.memory_space<vmem>>, vector<16xf32>,
          tpu.vector_store %arg7[%swap3A_126, %swap3A_127], %gather3A_124 {strides = array<i32>} : memref<64x128xf32, #tpu.memory_space<vmem>>, vector<16xf32>,
          %swap3A_129 = arith.index_cast %scan3A_90 : i32 to index
          %swap3A_130 = arith.constant 96 : index
          %swap3A_131 = tpu.vector_load %arg7[%swap3A_129, %swap3A_130] {strides = array<i32>} : memref<64x128xf32, #tpu.memory_space<vmem>>, vector<16xf32>,
          tpu.vector_store %arg7[%swap3A_129, %swap3A_130], %gather3A_125 {strides = array<i32>} : memref<64x128xf32, #tpu.memory_space<vmem>>, vector<16xf32>,
          %add3A_132 = arith.constant 48 : i32
          %add3A_133 = vector.broadcast %add3A_132 : i32 to vector<16xi32>
          %add3A_134 = arith.addi %iota3A, %add3A_133 : vector<16xi32>
          %gather3A_135 = tpu.vector_load_idx %arg5[%add3A_134, %add3A_94] : memref<64x128xf32, #tpu.memory_space<vmem>>[vector<16xi32>, vector<16xi32>], vector<16xf32>,
          %gather3A_136 = tpu.vector_load_idx %arg5[%add3A_134, %add3A_100] : memref<64x128xf32, #tpu.memory_space<vmem>>[vector<16xi32>, vector<16xi32>], vector<16xf32>,
          %swap3A_137 = arith.index_cast %scan3A_90 : i32 to index
          %swap3A_138 = arith.constant 48 : index
          %swap3A_139 = tpu.vector_load %arg7[%swap3A_137, %swap3A_138] {strides = array<i32>} : memref<64x128xf32, #tpu.memory_space<vmem>>, vector<16xf32>,
          tpu.vector_store %arg7[%swap3A_137, %swap3A_138], %gather3A_135 {strides = array<i32>} : memref<64x128xf32, #tpu.memory_space<vmem>>, vector<16xf32>,
          %swap3A_140 = arith.index_cast %scan3A_90 : i32 to index
          %swap3A_141 = arith.constant 112 : index
          %swap3A_142 = tpu.vector_load %arg7[%swap3A_140, %swap3A_141] {strides = array<i32>} : memref<64x128xf32, #tpu.memory_space<vmem>>, vector<16xf32>,
          tpu.vector_store %arg7[%swap3A_140, %swap3A_141], %gather3A_136 {strides = array<i32>} : memref<64x128xf32, #tpu.memory_space<vmem>>, vector<16xf32>,
        }
        %scan3A_83 = arith.constant 64 : i32
        %add3A_84 = arith.addi %mul3A_2, %add3A_47 : i32
        %mul3A_85 = arith.constant 64 : i32
        %mul3A_86 = arith.muli %add3A_84, %mul3A_85 : i32
        %dma_start3A = arith.constant 0 : i32
        %dma_start3A_87 = tpu.memref_slice %arg3[%mul3A_86, %dma_start3A] : memref<500032x128xf32, #tpu.memory_space<hbm>> -> memref<64x128xf32, #tpu.memory_space<hbm>>
        %dma_start3A_88 = arith.constant 0 : i32
        %dma_start3A_89 = tpu.memref_slice %arg3[%mul3A_86, %dma_start3A_88] : memref<500032x128xf32, #tpu.memory_space<hbm>> -> memref<64x128xf32, #tpu.memory_space<hbm>>
        tpu.enqueue_dma source(%arg7 : memref<64x128xf32, #tpu.memory_space<vmem>>) target(%dma_start3A_89 : memref<64x128xf32, #tpu.memory_space<hbm>>) target_semaphore(%arg11 : memref<!tpu.dma_semaphore, #tpu.memory_space<semaphore_mem>>)
      } else {
      }
    }
    %scan3A_13 = arith.constant 123 : i32
    %add3A_14 = arith.constant 243 : i32
    %add3A_15 = arith.addi %mul3A_2, %add3A_14 : i32
    %lt3A_16 = arith.constant 7813 : i32
    %lt3A_17 = arith.cmpi slt, %add3A_15, %lt3A_16 : i32
    %and3A_18 = arith.constant true
    %and3A_19 = arith.andi %lt3A_17, %and3A_18 : i1
    %convert_element_type3A_20 = arith.extui %and3A_19 : i1 to i32
    %cond3A_21 = arith.constant 0 : i32
    %cond3A_22 = arith.cmpi ne, %convert_element_type3A_20, %cond3A_21 : i32
    scf.if %cond3A_22 {
      %add3A_32 = arith.constant 243 : i32
      %add3A_33 = arith.addi %mul3A_2, %add3A_32 : i32
      %mul3A_34 = arith.constant 64 : i32
      %mul3A_35 = arith.muli %add3A_33, %mul3A_34 : i32
      %dma_wait3A = arith.constant 0 : i32
      %dma_wait3A_36 = tpu.memref_slice %arg3[%mul3A_35, %dma_wait3A] : memref<500032x128xf32, #tpu.memory_space<hbm>> -> memref<64x128xf32, #tpu.memory_space<hbm>>
      %dma_wait3A_37 = arith.constant 0 : i32
      %dma_wait3A_38 = tpu.memref_slice %arg3[%mul3A_35, %dma_wait3A_37] : memref<500032x128xf32, #tpu.memory_space<hbm>> -> memref<64x128xf32, #tpu.memory_space<hbm>>
      tpu.wait_dma2 semaphore(%arg11 : memref<!tpu.dma_semaphore, #tpu.memory_space<semaphore_mem>>) src(%arg7 : memref<64x128xf32, #tpu.memory_space<vmem>>) dst(%dma_wait3A_38 : memref<64x128xf32, #tpu.memory_space<hbm>>)
    } else {
    }
    %add3A_23 = arith.constant 244 : i32
    %add3A_24 = arith.addi %mul3A_2, %add3A_23 : i32
    %lt3A_25 = arith.constant 7813 : i32
    %lt3A_26 = arith.cmpi slt, %add3A_24, %lt3A_25 : i32
    %and3A_27 = arith.constant true
    %and3A_28 = arith.andi %lt3A_26, %and3A_27 : i1
    %convert_element_type3A_29 = arith.extui %and3A_28 : i1 to i32
    %cond3A_30 = arith.constant 0 : i32
    %cond3A_31 = arith.cmpi ne, %convert_element_type3A_29, %cond3A_30 : i32
    scf.if %cond3A_31 {
      %add3A_32 = arith.constant 244 : i32
      %add3A_33 = arith.addi %mul3A_2, %add3A_32 : i32
      %mul3A_34 = arith.constant 64 : i32
      %mul3A_35 = arith.muli %add3A_33, %mul3A_34 : i32
      %dma_wait3A = arith.constant 0 : i32
      %dma_wait3A_36 = tpu.memref_slice %arg3[%mul3A_35, %dma_wait3A] : memref<500032x128xf32, #tpu.memory_space<hbm>> -> memref<64x128xf32, #tpu.memory_space<hbm>>
      %dma_wait3A_37 = arith.constant 0 : i32
      %dma_wait3A_38 = tpu.memref_slice %arg3[%mul3A_35, %dma_wait3A_37] : memref<500032x128xf32, #tpu.memory_space<hbm>> -> memref<64x128xf32, #tpu.memory_space<hbm>>
      tpu.wait_dma2 semaphore(%arg10 : memref<!tpu.dma_semaphore, #tpu.memory_space<semaphore_mem>>) src(%arg6 : memref<64x128xf32, #tpu.memory_space<vmem>>) dst(%dma_wait3A_38 : memref<64x128xf32, #tpu.memory_space<hbm>>)
    } else {
    }
    return
  }
}

</mosaic_0001>

<sc_bundles>
// kernel: kernel.4.cloned.1.call-start
scs
__scs_entry_jumppad:
0x0: {  	(pc) =	sbr.rel $0x88, $3  }
0x1: {  	(tag) =	ssettag $0x0;
	lr =	simm.s32 $0x1  }
0x2: {  	[smem:$0x3F9F] =	sst lr;
	_ =	strace $0xD0000000  }
0x3: {  	_ = 	snop  }
0x4: {  	_ = 	snop  }
0x5: {  	_ = 	snop  }
0x6: {  	_ = 	snop  }
0x7: {  	_ = 	snop  }
__scs_overlays_trampoline_lowered:
0x8: {  	[smem:$0x3FAE] =	sst s0  }
0x9: {  	[smem:$0x3FAF] =	sst s1  }
0xa: {  	[smem:$0x3FB0] =	sst s2  }
0xb: {  	[smem:$0x3FB1] =	sst s3  }
0xc: {  	[smem:$0x3FB2] =	sst s4  }
0xd: {  	[smem:$0x3FB3] =	sst s5  }
0xe: {  	[smem:$0x3FB4] =	sst s6  }
0xf: {  	[smem:$0x3FB5] =	sst s7  }
0x10: {  	[smem:$0x3FB6] =	sst s8  }
0x11: {  	[smem:$0x3FB7] =	sst s9;
	s0 =	simm.s32 @!p0 $0x0  }
0x12: {  	s1 =	sld [smem:$0x3F9D];
	s0 =	simm.s32 @p0 $0x1  }
0x13: {  	[smem:$0x3FB8] =	sst s0;
	s0 =	simm.s32 @!p1 $0x0  }
0x14: {  	s2 =	sld [smem:$0x3F9C];
	s0 =	simm.s32 @p1 $0x1  }
0x15: {  	[smem:$0x3FB9] =	sst s0;
	s0 =	simm.s32 @!p2 $0x0  }
0x16: {  	s3 =	sld [smem:$0x3FDB];
	s0 =	simm.s32 @p2 $0x1  }
0x17: {  	s4 =	simm.s32 $0x1BF5;
	[smem:$0x3FBB] =	sst s0  }
0x18: {  	s0 =	sld [smem:$0x3F9E];
	_ =	swait.ge [sflag:s4], $0x0  }
0x19: {  	s7 =	sld [smem:$0x3F9F]  }
0x1a: {  	s8 =	sadd.s32 $0xFFFFE003, lr  }
0x1b: {  	s9 =	sadd.s32 $0xFFFFFEF7, lr;
	s5 =	simm.s32 $0xFFFFFFFF;
	p2 =	slt.u32 s8, $0xFFFFF086  }
0x1c: {  	p1 =	slt.u32 s9, $0xF7A;
	s5 =	simm.s32 @!p2 $0x0  }
0x1d: {  	s5 =	simm.s32 @p1 $0x1;
	p0 =	seq.s32 s7, s2  }
0x1e: {  	s7 =	smul.u32 @!p0 $0xF7A, s2;
	p2 =	seq.s32 @!p0 s5, $0x0  }
0x1f: {  	s9 =	smul.u32 $0xF7A, s1;
	s8 =	simm.s32 @!p0 $0x1BF5;
	p2 =	por !p2, p0  }
0x20: {  	[sflag:s8] =	ssyncset.s32 @!p0 $0xFFFFF086;
	s6 =	sadd.s32 @!p0 s3, s7;
	s7 =	simm.s32 @!p0 $0x108  }
0x21: {  	s3 =	sadd.s32 s3, s9;
	s6 =	sadd.s32 @!p0 $0x88, s6;
	s7 =	simm.s32 @p2 $0x1082  }
0x22: {  	[simem:s7], [sflag:s8] =	dma.local @!p0 [hbm:s6], $0xF7A  }
0x23: {  	s9 =	sor.u32 $0xD0000000, s2;
	s6 =	simm.s32 $0x108;
	_ =	swait.ge @!p0 [sflag:s8], $0x0  }
0x24: {  	s3 =	sadd.s32 $0x88, s3;
	s6 =	simm.s32 @!p1 $0x1082;
	[sflag:s4] =	ssyncset.s32 $0xFFFFF086  }
0x25: {  	[simem:s6], [sflag:s4] =	dma.local [hbm:s3], $0xF7A  }
0x26: {  	[smem:$0x3F9F] =	sst s1;
	(tag) =	ssettag s2;
	_ =	strace s9  }
0x27: {  	s1 =	sld [smem:$0x3FAF]  }
0x28: {  	s2 =	sld [smem:$0x3FB0]  }
0x29: {  	s4 =	sld [smem:$0x3FB2]  }
0x2a: {  	p0 =	seq.s32 s5, $0x0;
	s5 =	sld [smem:$0x3FB3]  }
0x2b: {  	s6 =	sld [smem:$0x3FB4]  }
0x2c: {  	s7 =	sld [smem:$0x3FB5]  }
0x2d: {  	s3 =	simm.s32 $0x108;
	s8 =	sld [smem:$0x3FB6]  }
0x2e: {  	s3 =	simm.s32 @!p0 $0x1082;
	s9 =	sld [smem:$0x3FB7]  }
0x2f: {  	lr =	sadd.s32 s0, s3;
	s0 =	sld [smem:$0x3FAE]  }
0x30: {  	s3 =	sld [smem:$0x3FB1]  }
0x31: {  	[smem:$0x3FBA] =	sst s10  }
0x32: {  	s10 =	sld [smem:$0x3FB8];
	_ =	sdelay $0x3  }
0x33: {  	p0 =	seq.s32 s10, $0x1;
	s10 =	sld [smem:$0x3FBA];
	_ =	sdelay $0x3  }
0x34: {  	[smem:$0x3FBA] =	sst s10  }
0x35: {  	s10 =	sld [smem:$0x3FB9];
	_ =	sdelay $0x3  }
0x36: {  	p1 =	seq.s32 s10, $0x1;
	s10 =	sld [smem:$0x3FBA];
	_ =	sdelay $0x3  }
0x37: {  	[smem:$0x3FBA] =	sst s10  }
0x38: {  	s10 =	sld [smem:$0x3FBB]  }
0x39: {  	_ = 	snop;
	(pc) =	sbr.ind lr, $3  }
0x3a: {  	_ = 	snop  }
0x3b: {  	_ = 	snop  }
0x3c: {  	p2 =	seq.s32 s10, $0x1;
	s10 =	sld [smem:$0x3FBA]  }
0x3d: {  	_ =	shalt  }
0x3e: {  	_ =	shalt  }
0x3f: {  	_ =	shalt  }
0x40: {  	_ =	shalt  }
0x41: {  	_ =	shalt  }
0x42: {  	_ =	shalt  }
0x43: {  	_ =	shalt  }
0x44: {  	_ =	shalt  }
0x45: {  	_ =	shalt  }
0x46: {  	_ =	shalt  }
0x47: {  	_ =	shalt  }
0x48: {  	_ =	shalt  }
0x49: {  	_ =	shalt  }
0x4a: {  	_ =	shalt  }
0x4b: {  	_ =	shalt  }
0x4c: {  	_ =	shalt  }
0x4d: {  	_ =	shalt  }
0x4e: {  	_ =	shalt  }
0x4f: {  	_ =	shalt  }
0x50: {  	_ =	shalt  }
0x51: {  	_ =	shalt  }
0x52: {  	_ =	shalt  }
0x53: {  	_ =	shalt  }
0x54: {  	_ =	shalt  }
0x55: {  	_ =	shalt  }
0x56: {  	_ =	shalt  }
0x57: {  	_ =	shalt  }
0x58: {  	_ =	shalt  }
0x59: {  	_ =	shalt  }
0x5a: {  	_ =	shalt  }
0x5b: {  	_ =	shalt  }
0x5c: {  	_ =	shalt  }
0x5d: {  	_ =	shalt  }
0x5e: {  	_ =	shalt  }
0x5f: {  	_ =	shalt  }
0x60: {  	_ =	shalt  }
0x61: {  	_ =	shalt  }
0x62: {  	_ =	shalt  }
0x63: {  	_ =	shalt  }
0x64: {  	_ =	shalt  }
0x65: {  	_ =	shalt  }
0x66: {  	_ =	shalt  }
0x67: {  	_ =	shalt  }
0x68: {  	_ =	shalt  }
0x69: {  	_ =	shalt  }
0x6a: {  	_ =	shalt  }
0x6b: {  	_ =	shalt  }
0x6c: {  	_ =	shalt  }
0x6d: {  	_ =	shalt  }
0x6e: {  	_ =	shalt  }
0x6f: {  	_ =	shalt  }
0x70: {  	_ =	shalt  }
0x71: {  	_ =	shalt  }
0x72: {  	_ =	shalt  }
0x73: {  	_ =	shalt  }
0x74: {  	_ =	shalt  }
0x75: {  	_ =	shalt  }
0x76: {  	_ =	shalt  }
0x77: {  	_ =	shalt  }
0x78: {  	_ =	shalt  }
0x79: {  	_ =	shalt  }
0x7a: {  	_ =	shalt  }
0x7b: {  	_ =	shalt  }
0x7c: {  	_ =	shalt  }
0x7d: {  	_ =	shalt  }
0x7e: {  	_ =	shalt  }
0x7f: {  	_ =	shalt  }
0x80: {  	_ =	shalt  }
0x81: {  	_ =	shalt  }
0x82: {  	_ =	shalt  }
0x83: {  	_ =	shalt  }
0x84: {  	_ =	shalt  }
0x85: {  	_ =	shalt  }
0x86: {  	_ =	shalt  }
0x87: {  	_ =	shalt  }
.Lfunc_end0:
.L_simem_size_0:
called_computation_lowered:
.L_overlay_start_0:
0x88: {  	s2 =	sld [smem:$0x3FD9]  }
0x89: {  	s3 =	sld [smem:$0x3FFE];
	_ =	sdelay $0x1  }
0x8a: {  	s1 =	srdreg.scid  }
0x8b: {  	s0 =	sand.u32 $0x1, s1  }
0x8c: {  	s17 =	sshll.u32 s0, $0xA;
	s2 =	sadd.s32 s3, s2  }
0x8d: {  	s2 =	sadd.s32 s2, s17  }
0x8e: {  	[smem:$0x3FC6] =	sst s2  }
0x8f: {  	_ = 	snop  }
0x90: {  	s2 =	sld [smem:$0x3FC8];
	(tm) =	ssettm $0x1  }
0x91: {  	s18 =	sld [smem:$0x3FFB];
	_ =	sdelay $0x3  }
0x92: {  	_ =	strace s18  }
0x93: {  	s3 =	sld [smem:$0x3FFC];
	_ =	sdelay $0x3  }
0x94: {  	_ =	strace s3  }
0x95: {  	s3 =	sld [smem:$0x3FFD];
	_ =	sdelay $0x3  }
0x96: {  	_ =	strace s3  }
0x97: {  	_ =	strace $0x8FFFFFFF  }
0x98: {  	s19 =	sld [smem:$0x3FDB];
	_ =	sdelay $0x1  }
0x99: {  	s4 =	simm.s32 $_scs_section_size  }
0x9a: {  	s5 =	simm.s32 $_size__tile_overlayer_lowered;
	s6 =	simm.s32 $_tile_overlayer_lowered  }
0x9b: {  	s22 =	simm.s32 $0x1BFF;
	s21 =	sshll.u32 s6, $0x1;
	s3 =	sadd.s32 s4, s19  }
0x9c: {  	s7 =	simm.s32 $0x0;
	s20 =	sshll.u32 s5, $0x1;
	s5 =	sadd.s32 s21, s3  }
0x9d: {  	[timem:s7], [sflag:s22] =	dma.local [hbm:s5], s20  }
0x9e: {  	_ =	swait.ge [sflag:s22], s20  }
0x9f: {  	s4 =	ssub.s32 $0x0, s20;
	[sflag:s22] =	ssyncset.done $0x0  }
0xa0: {  	[sflag:s22] =	ssyncadd.s32 s4;
	_ =	sdelay $0x1  }
0xa1: {  	s23 =	simm.s32 $0x1B8B  }
0xa2: {  	_ =	swait.ge [sflag:s23], $0x1  }
0xa3: {  	[sflag:s23] =	ssyncset.done $0x0  }
0xa4: {  	s25 =	simm.s32 $0x1B8E;
	s24 =	sld [smem:$0x3FFE];
	[sflag:s23] =	ssyncadd.s32 $0xFFFFFFFF  }
0xa5: {  	s26 =	simm.s32 $execute0_lowered;
	[smem:$0x3FD2] =	sst s25  }
0xa6: {  	s5 =	sshll.u32 s26, $0x1;
	_ =	strace $0x80000046;
	[dreg:$0x1] =	wrdreg $0xFFFFFFFF  }
0xa7: {  	s28 =	simm.s32 $_size_execute0_lowered;
	s3 =	sadd.s32 s3, s5;
	[dreg:$0x0] =	wrdreg $0x0  }
0xa8: {  	s5 =	sshll.u32 s28, $0x1;
	[dreg:$0x2] =	wrdreg s3  }
0xa9: {  	[dreg:$0x3] =	wrdreg s5  }
0xaa: {  	[dreg:$0x4] =	wrdreg $0xC0  }
0xab: {  	_ =	task [dreg:s7], $0x5FFFF  }
0xac: {  	[dreg:$0x1] =	wrdreg $0xFFFFFFFF  }
0xad: {  	[dreg:$0x0] =	wrdreg $0x60  }
0xae: {  	[dreg:$0x2] =	wrdreg s2  }
0xaf: {  	[dreg:$0x3] =	wrdreg s24  }
0xb0: {  	[dreg:$0x4] =	wrdreg $0x9  }
0xb1: {  	_ =	task.clear_ibuf [dreg:s7], $0x5FFFF;
	_ =	strace $0x90000046  }
0xb2: {  	s29 =	simm.s32 $0x9;
	_ =	strace $0x80000048  }
0xb3: {  	_ =	swait.ge [sflag:s29], $0x1  }
0xb4: {  	[sflag:s29] =	ssyncadd.s32 $0xFFFFFFFF  }
0xb5: {  	_ =	strace $0x90000048  }
0xb6: {  	_ =	sfence  }
0xb7: {  	s30 =	sld [smem:$0x0];
	_ =	sdelay $0x2  }
0xb8: {  	s31 =	sshll.u32 s1, $0xD;
	s1 =	sshrl.u32 s1, $0x2  }
0xb9: {  	s3 =	sand.u32 $0x4000, s31;
	s1 =	sadd.s32 s1, s30  }
0xba: {  	s0 =	sor.u32 s3, s0;
	s1 =	sshll.u32 s1, $0x11  }
0xbb: {  	s0 =	sor.u32 s1, s0  }
0xbc: {  	s0 =	sadd.s32 $0x8F2B, s0  }
0xbd: {  	[sflag:s0] =	ssyncadd.remote.s32 $0x1  }
0xbe: {  	_ =	sfence.sel $0xFFFF  }
0xbf: {  	[dreg:$0x0] =	wrdreg $0xFFFFFFFF;
	(pc) =	sbr.abs _section_cstart, $3  }
0xc0: {  	[dreg:$0x1] =	wrdreg $0xFFFFFFFF  }
0xc1: {  	_ =	task.clear_ibuf [dreg:s7], $0x2FFFF;
	_ =	strace $0x9FFFFFFF  }
0xc2: {  	(tm) =	ssettm $0x7FFFFFFF  }
0xc3: {  	_ =	shalt  }
tec
execute0_lowered:
.L_overlay_start_1:
0x0: {  	(tag) =	ssettag $0x1  }
0x1: {  	s2 =	rddreg [dreg:$0x0]  }
0x2: {  	s1 =	srdreg.scid;
	s0 =	stileid.u32  }
0x3: {  	s5 =	rddreg [dreg:$0x1];
	s10 =	simm.s32 $0x7A1400;
	s11 =	simm.s32 $0x1  }
0x4: {  	s12 =	simm.s32 $0x4000;
	s4 =	sand.u32 $0x1, s1;
	s3 =	sshll.u32 s0, $0x1  }
0x5: {  	s13 =	simm.s32 $0x2;
	s14 =	simm.s32 $0x2000;
	s16 =	sor.u32 s4, s3  }
0x6: {  	s15 =	simm.s32 $0x6000;
	s6 =	ssub.s32 $0x2, s4;
	s4 =	smul.u32 $0xF5, s16  }
.Ltmp0:
0x7: {  	s1 =	rddreg [dreg:$0x2];
	s3 =	simm.s32 $0x0;
	(pc) =	sbr.rel .LBB2_1-.Ltmp0, $4  }
0x8: {  	v0 =	vlaneseq.u32;
	s5 =	sadd.s32 $0x800, s5;
	[smem:$0x7FF] =	sst s3;
	s8 =	smul.u32 $0x7A80, s16  }
0x9: {  	v0 =	vmul.u32 $0x80, v0;
	s7 =	sshrl.u32 s6, $0x1;
	p0 =	seq.s32 s16, $0x1F;
	s16 =	simm.s32 $0x0  }
0xa: {  	_ =	strace $0x80000047;
	s9 =	ssub.s32 s6, s7;
	s6 =	sadd.s32 s2, s8  }
0xb: {  	v1 =	vor.u32 $0x800, v0;
	v2 =	vor.u32 $0x1000, v0;
	v3 =	vor.u32 $0x1800, v0;
	s7 =	sadd.s32 $0x2, s4;
	s8 =	smax.u32 s9, $0x1;
	s9 =	simm.s32 $0x400  }
.LBB2_11:
0xc: {  	s17 =	simm.s32 @!p0 $0x4;
	s16 =	sadd.s32 $0x1, s16  }
0xd: {  	_ =	swait.ge @!p0 [sflag:s17], $0x2000;
	p1 =	sne.s32 s16, s8  }
.Ltmp1:
0xe: {  	[sflag:s17] =	ssyncset.done @!p0 $0x0;
	(pc) =	sbr.rel @!p1 .LBB2_12-.Ltmp1, $4  }
0xf: {  	[sflag:s17] =	ssyncadd.s32 @!p0 $0xFFFFE000;
	s17 =	simm.s32 @!p0 $0x3  }
0x10: {  	_ =	swait.ge @!p0 [sflag:s17], $0x2000  }
0x11: {  	[sflag:s17] =	ssyncset.done @!p0 $0x0  }
0x12: {  	[sflag:s17] =	ssyncadd.s32 @!p0 $0xFFFFE000  }
.LBB2_1:
.Ltmp2:
0x13: {  	(pc) =	sbr.rel .LBB2_2-.Ltmp2, $3  }
0x14: {  	_ =	sdelay $0x1  }
0x15: {  	[tilespmem:s3], [sflag:$0x1] =	stream.strided.gather [hbm4b:s6+s9], $0x2000, s10, s9, $0x38;
	[tilespmem:$0x8000] =	vst v63  }
0x16: {  	s17 =	simm.s32 $0x0  }
.LBB2_10:
0x17: {  	s17 =	sadd.s32 $0x1, s17  }
0x18: {  	p1 =	sne.s32 s17, $0x7B  }
.Ltmp3:
0x19: {  	_ = 	snop;
	(pc) =	sbr.rel @!p1 .LBB2_11-.Ltmp3, $1  }
0x1a: {  	_ =	sdelay $0x3  }
.LBB2_2:
0x1b: {  	s19 =	sshll.u32 s17, $0x1  }
0x1c: {  	s20 =	sadd.s32 s4, s19  }
0x1d: {  	p3 =	sgt.u32 s20, $0x1E84  }
.Ltmp4:
0x1e: {  	_ = 	snop;
	(pc) =	sbr.rel @p3 .LBB2_6-.Ltmp4, $4  }
0x1f: {  	_ = 	snop  }
0x20: {  	s21 =	sshllo.u32 s17, $0x1  }
0x21: {  	s18 =	sadd.s32 s4, s21;
	p1 =	sgt.u32 s21, $0xF4  }
0x22: {  	p2 =	sgt.u32 @!p1 s18, $0x1E84  }
0x23: {  	p3 =	por p2, p1;
	s22 =	simm.s32 $0x0  }
0x24: {  	s29 =	simm.s32 $0x1;
	s21 =	sshll.u32 @!p3 s18, $0x7;
	v4 =	vmov s22;
	s23 =	simm.s32 @!p3 $0x400  }
0x25: {  	s24 =	simm.s32 @!p3 $0x7A1400;
	v5 =	vmov s29;
	s22 =	simm.s32 @!p3 $0x2000;
	s21 =	sadd.s32 @!p3 s2, s21;
	v4 =	vand.u32 $0x7E, v4  }
0x26: {  	v5 =	vand.u32 $0x7F, v5;
	[tilespmem:s22], [sflag:$0x2] =	stream.strided.gather @!p3 [hbm4b:s21+s23], $0x2000, s24, s23, $0x38;
	v4 =	vbroadcast v4, $0x0;
	[tilespmem:$0x8000] =	vst v63  }
0x27: {  	v5 =	vbroadcast v5, $0x0;
	_ =	swait.ge [sflag:s11], $0x2000  }
0x28: {  	p3 =	seq.s32 s17, $0x0;
	[sflag:s11] =	ssyncset.done $0x0;
	v6 =	vor.u32 v0, v4  }
0x29: {  	s21 =	simm.s32 @!p3 $0x3;
	v7 =	vor.u32 v0, v5;
	[sflag:s11] =	ssyncadd.s32 $0xFFFFE000  }
0x2a: {  	_ =	swait.ge @!p3 [sflag:s21], $0x2000  }
0x2b: {  	[sflag:s21] =	ssyncset.done @!p3 $0x0  }
0x2c: {  	[sflag:s21] =	ssyncadd.s32 @!p3 $0xFFFFE000  }
0x2d: {  	v6 =	vld.idx.msk [tilespmem:v6+s3+$0x0], $0xffff  }
0x2e: {  	v7 =	vld.idx.msk [tilespmem:v7+s3+$0x0], $0xffff  }
0x2f: {  	v8 =	vor.u32 v1, v4  }
0x30: {  	v9 =	vor.u32 v1, v5  }
0x31: {  	s21 =	simm.s32 $0x4040  }
0x32: {  	[tilespmem:s21+$0xFFFFFFC0] =	vst v6  }
0x33: {  	[tilespmem:s21+$0x0] =	vst v7  }
0x34: {  	v6 =	vld.idx.msk [tilespmem:v8+s3+$0x0], $0xffff  }
0x35: {  	v7 =	vld.idx.msk [tilespmem:v9+s3+$0x0], $0xffff  }
0x36: {  	v8 =	vor.u32 v2, v4  }
0x37: {  	v9 =	vor.u32 v2, v5;
	_ =	sdelay $0x1  }
0x38: {  	[tilespmem:s21+$0xFFFFFFD0] =	vst v6  }
0x39: {  	[tilespmem:s21+$0x10] =	vst v7  }
0x3a: {  	v6 =	vld.idx.msk [tilespmem:v8+s3+$0x0], $0xffff  }
0x3b: {  	v7 =	vld.idx.msk [tilespmem:v9+s3+$0x0], $0xffff  }
0x3c: {  	v8 =	vor.u32 v3, v4  }
0x3d: {  	s30 =	simm.s32 $0x2;
	v5 =	vor.u32 v3, v5  }
0x3e: {  	v4 =	vmov s30  }
0x3f: {  	s31 =	simm.s32 $0x3;
	v4 =	vand.u32 $0x7E, v4;
	[tilespmem:s21+$0xFFFFFFE0] =	vst v6  }
0x40: {  	v4 =	vbroadcast v4, $0x0;
	[tilespmem:s21+$0x20] =	vst v7;
	v7 =	vmov s31  }
0x41: {  	v6 =	vld.idx.msk [tilespmem:v8+s3+$0x0], $0xffff;
	v8 =	vand.u32 $0x7F, v7  }
0x42: {  	s22 =	simm.s32 $0x4;
	s23 =	simm.s32 $0x4040;
	v7 =	vld.idx.msk [tilespmem:v5+s3+$0x0], $0xffff;
	v5 =	vbroadcast v8, $0x0;
	v8 =	vor.u32 v0, v4  }
.LBB2_4:
0x43: {  	p3 =	sne.s32 s22, $0x7E  }
0x44: {  	v9 =	vor.u32 v0, v5;
	s21 =	sadd.s32 $0x80, s21;
	s24 =	smov.u32 s22;
	s22 =	sadd.s32 $0x2, s22  }
0x45: {  	_ = 	snop  }
0x46: {  	[tilespmem:s23+$0xFFFFFFF0] =	vst v6  }
0x47: {  	[tilespmem:s23+$0x30] =	vst v7;
	s23 =	smov.u32 s21  }
0x48: {  	v6 =	vld.idx.msk [tilespmem:v8+s3+$0x0], $0xffff  }
0x49: {  	v7 =	vld.idx.msk [tilespmem:v9+s3+$0x0], $0xffff;
	_ =	sdelay $0x1  }
0x4a: {  	v8 =	vor.u32 v1, v4;
	v9 =	vor.u32 v1, v5;
	_ =	sdelay $0x2  }
0x4b: {  	[tilespmem:s21+$0xFFFFFFC0] =	vst v6  }
0x4c: {  	[tilespmem:s21+$0x0] =	vst v7  }
0x4d: {  	v6 =	vld.idx.msk [tilespmem:v8+s3+$0x0], $0xffff  }
0x4e: {  	v7 =	vld.idx.msk [tilespmem:v9+s3+$0x0], $0xffff;
	_ =	sdelay $0x1  }
0x4f: {  	v8 =	vor.u32 v2, v4;
	v9 =	vor.u32 v2, v5;
	_ =	sdelay $0x2  }
0x50: {  	[tilespmem:s21+$0xFFFFFFD0] =	vst v6  }
0x51: {  	[tilespmem:s21+$0x10] =	vst v7  }
0x52: {  	v6 =	vld.idx.msk [tilespmem:v8+s3+$0x0], $0xffff  }
0x53: {  	v7 =	vld.idx.msk [tilespmem:v9+s3+$0x0], $0xffff;
	_ =	sdelay $0x1  }
0x54: {  	v4 =	vor.u32 v3, v4;
	v5 =	vor.u32 v3, v5;
	_ =	sdelay $0x2  }
0x55: {  	[tilespmem:s21+$0xFFFFFFE0] =	vst v6  }
.Ltmp5:
0x56: {  	v6 =	vmov s24;
	s24 =	sadd.s32 $0x1, s24;
	[tilespmem:s21+$0x20] =	vst v7;
	(pc) =	sbr.rel @p3 .LBB2_4-.Ltmp5, $4  }
0x57: {  	v7 =	vmov s24;
	v8 =	vand.u32 $0x7E, v6;
	v6 =	vld.idx.msk [tilespmem:v4+s3+$0x0], $0xffff  }
0x58: {  	v4 =	vbroadcast v8, $0x0;
	v8 =	vand.u32 $0x7F, v7;
	v7 =	vld.idx.msk [tilespmem:v5+s3+$0x0], $0xffff  }
0x59: {  	v5 =	vbroadcast v8, $0x0  }
0x5a: {  	v8 =	vor.u32 v0, v4  }
0x5b: {  	v9 =	vor.u32 v0, v5;
	_ =	sdelay $0x1  }
0x5c: {  	[tilespmem:s23+$0xFFFFFFF0] =	vst v6  }
0x5d: {  	[tilespmem:s23+$0x30] =	vst v7  }
0x5e: {  	v6 =	vld.idx.msk [tilespmem:v8+s3+$0x0], $0xffff  }
0x5f: {  	v7 =	vld.idx.msk [tilespmem:v9+s3+$0x0], $0xffff  }
0x60: {  	v60 =	vor.u32 v1, v4  }
0x61: {  	v61 =	vor.u32 v1, v5  }
0x62: {  	s21 =	sadd.s32 $0x80, s21  }
0x63: {  	[tilespmem:s21+$0xFFFFFFC0] =	vst v6  }
0x64: {  	[tilespmem:s21+$0x0] =	vst v7  }
0x65: {  	v6 =	vld.idx.msk [tilespmem:v60+s3+$0x0], $0xffff  }
0x66: {  	v7 =	vld.idx.msk [tilespmem:v61+s3+$0x0], $0xffff  }
0x67: {  	v62 =	vor.u32 v2, v4  }
0x68: {  	v63 =	vor.u32 v2, v5;
	_ =	sdelay $0x1  }
0x69: {  	[tilespmem:s21+$0xFFFFFFD0] =	vst v6  }
0x6a: {  	[tilespmem:s21+$0x10] =	vst v7  }
0x6b: {  	v6 =	vld.idx.msk [tilespmem:v62+s3+$0x0], $0xffff  }
0x6c: {  	v7 =	vld.idx.msk [tilespmem:v63+s3+$0x0], $0xffff  }
0x6d: {  	v4 =	vor.u32 v3, v4  }
0x6e: {  	v5 =	vor.u32 v3, v5;
	_ =	sdelay $0x1  }
0x6f: {  	[tilespmem:s21+$0xFFFFFFE0] =	vst v6  }
0x70: {  	[tilespmem:s21+$0x20] =	vst v7  }
0x71: {  	v4 =	vld.idx.msk [tilespmem:v4+s3+$0x0], $0xffff  }
0x72: {  	v5 =	vld.idx.msk [tilespmem:v5+s3+$0x0], $0xffff;
	_ =	sdelay $0x3  }
0x73: {  	s20 =	sshll.u32 s20, $0xA;
	[tilespmem:s21+$0xFFFFFFF0] =	vst v4  }
0x74: {  	s20 =	sadd.s32 s5, s20;
	[tilespmem:s21+$0x30] =	vst v5  }
0x75: {  	[hbm4b:s20+s3] =	stream.linear.scatter [tilespmem:s12], [sflag:$0x3], $0x2000, $0x38;
	[tilespmem:$0x8000] =	vst v63  }
.LBB2_6:
0x76: {  	p1 =	por p1, p2  }
.Ltmp6:
0x77: {  	_ = 	snop;
	(pc) =	sbr.rel @p1 .LBB2_10-.Ltmp6, $1  }
0x78: {  	_ =	sdelay $0x3  }
0x79: {  	s19 =	sadd.s32 s19, s7  }
0x7a: {  	s20 =	simm.s32 $0x0;
	p1 =	sgt.u32 s19, $0x1E84  }
0x7b: {  	s29 =	simm.s32 $0x1;
	v4 =	vmov s20;
	s19 =	sshll.u32 @!p1 s19, $0x7;
	s21 =	simm.s32 @!p1 $0x400  }
0x7c: {  	v5 =	vmov s29;
	s22 =	simm.s32 @!p1 $0x7A1400;
	s20 =	simm.s32 @!p1 $0x0;
	v4 =	vand.u32 $0x7E, v4;
	s19 =	sadd.s32 @!p1 s2, s19  }
0x7d: {  	v5 =	vand.u32 $0x7F, v5;
	v4 =	vbroadcast v4, $0x0;
	[tilespmem:s20], [sflag:$0x1] =	stream.strided.gather @!p1 [hbm4b:s19+s21], $0x2000, s22, s21, $0x38;
	[tilespmem:$0x8000] =	vst v63  }
0x7e: {  	v5 =	vbroadcast v5, $0x0;
	_ =	swait.ge [sflag:s13], $0x2000  }
0x7f: {  	p1 =	seq.s32 s17, $0x0;
	v6 =	vor.u32 v0, v4;
	[sflag:s13] =	ssyncset.done $0x0  }
0x80: {  	s19 =	simm.s32 @!p1 $0x4;
	v7 =	vor.u32 v0, v5;
	[sflag:s13] =	ssyncadd.s32 $0xFFFFE000  }
0x81: {  	_ =	swait.ge @!p1 [sflag:s19], $0x2000  }
0x82: {  	[sflag:s19] =	ssyncset.done @!p1 $0x0  }
0x83: {  	[sflag:s19] =	ssyncadd.s32 @!p1 $0xFFFFE000  }
0x84: {  	v6 =	vld.idx.msk [tilespmem:v6+s14+$0x0], $0xffff  }
0x85: {  	v7 =	vld.idx.msk [tilespmem:v7+s14+$0x0], $0xffff  }
0x86: {  	v8 =	vor.u32 v1, v4  }
0x87: {  	v9 =	vor.u32 v1, v5  }
0x88: {  	s19 =	simm.s32 $0x6040  }
0x89: {  	[tilespmem:s19+$0xFFFFFFC0] =	vst v6  }
0x8a: {  	[tilespmem:s19+$0x0] =	vst v7  }
0x8b: {  	v6 =	vld.idx.msk [tilespmem:v8+s14+$0x0], $0xffff  }
0x8c: {  	v7 =	vld.idx.msk [tilespmem:v9+s14+$0x0], $0xffff  }
0x8d: {  	v8 =	vor.u32 v2, v4  }
0x8e: {  	v9 =	vor.u32 v2, v5;
	_ =	sdelay $0x1  }
0x8f: {  	[tilespmem:s19+$0xFFFFFFD0] =	vst v6  }
0x90: {  	[tilespmem:s19+$0x10] =	vst v7  }
0x91: {  	v6 =	vld.idx.msk [tilespmem:v8+s14+$0x0], $0xffff  }
0x92: {  	v7 =	vld.idx.msk [tilespmem:v9+s14+$0x0], $0xffff  }
0x93: {  	v8 =	vor.u32 v3, v4  }
0x94: {  	s30 =	simm.s32 $0x2;
	v5 =	vor.u32 v3, v5  }
0x95: {  	v4 =	vmov s30  }
0x96: {  	s31 =	simm.s32 $0x3;
	v4 =	vand.u32 $0x7E, v4;
	[tilespmem:s19+$0xFFFFFFE0] =	vst v6  }
0x97: {  	v4 =	vbroadcast v4, $0x0;
	[tilespmem:s19+$0x20] =	vst v7;
	v7 =	vmov s31  }
0x98: {  	v6 =	vld.idx.msk [tilespmem:v8+s14+$0x0], $0xffff;
	v8 =	vand.u32 $0x7F, v7  }
0x99: {  	s20 =	simm.s32 $0x4;
	s21 =	simm.s32 $0x6040;
	v7 =	vld.idx.msk [tilespmem:v5+s14+$0x0], $0xffff;
	v5 =	vbroadcast v8, $0x0;
	v8 =	vor.u32 v0, v4  }
.LBB2_8:
0x9a: {  	p1 =	sne.s32 s20, $0x7E  }
0x9b: {  	v9 =	vor.u32 v0, v5;
	s19 =	sadd.s32 $0x80, s19;
	s22 =	smov.u32 s20;
	s20 =	sadd.s32 $0x2, s20  }
0x9c: {  	_ = 	snop  }
0x9d: {  	[tilespmem:s21+$0xFFFFFFF0] =	vst v6  }
0x9e: {  	[tilespmem:s21+$0x30] =	vst v7;
	s21 =	smov.u32 s19  }
0x9f: {  	v6 =	vld.idx.msk [tilespmem:v8+s14+$0x0], $0xffff  }
0xa0: {  	v7 =	vld.idx.msk [tilespmem:v9+s14+$0x0], $0xffff;
	_ =	sdelay $0x1  }
0xa1: {  	v8 =	vor.u32 v1, v4;
	v9 =	vor.u32 v1, v5;
	_ =	sdelay $0x2  }
0xa2: {  	[tilespmem:s19+$0xFFFFFFC0] =	vst v6  }
0xa3: {  	[tilespmem:s19+$0x0] =	vst v7  }
0xa4: {  	v6 =	vld.idx.msk [tilespmem:v8+s14+$0x0], $0xffff  }
0xa5: {  	v7 =	vld.idx.msk [tilespmem:v9+s14+$0x0], $0xffff;
	_ =	sdelay $0x1  }
0xa6: {  	v8 =	vor.u32 v2, v4;
	v9 =	vor.u32 v2, v5;
	_ =	sdelay $0x2  }
0xa7: {  	[tilespmem:s19+$0xFFFFFFD0] =	vst v6  }
0xa8: {  	[tilespmem:s19+$0x10] =	vst v7  }
0xa9: {  	v6 =	vld.idx.msk [tilespmem:v8+s14+$0x0], $0xffff  }
0xaa: {  	v7 =	vld.idx.msk [tilespmem:v9+s14+$0x0], $0xffff;
	_ =	sdelay $0x1  }
0xab: {  	v4 =	vor.u32 v3, v4;
	v5 =	vor.u32 v3, v5;
	_ =	sdelay $0x2  }
0xac: {  	[tilespmem:s19+$0xFFFFFFE0] =	vst v6  }
.Ltmp7:
0xad: {  	v6 =	vmov s22;
	s22 =	sadd.s32 $0x1, s22;
	[tilespmem:s19+$0x20] =	vst v7;
	(pc) =	sbr.rel @p1 .LBB2_8-.Ltmp7, $4  }
0xae: {  	v7 =	vmov s22;
	v8 =	vand.u32 $0x7E, v6;
	v6 =	vld.idx.msk [tilespmem:v4+s14+$0x0], $0xffff  }
0xaf: {  	v4 =	vbroadcast v8, $0x0;
	v8 =	vand.u32 $0x7F, v7;
	v7 =	vld.idx.msk [tilespmem:v5+s14+$0x0], $0xffff  }
0xb0: {  	v5 =	vbroadcast v8, $0x0  }
0xb1: {  	v8 =	vor.u32 v0, v4  }
0xb2: {  	v9 =	vor.u32 v0, v5;
	_ =	sdelay $0x1  }
0xb3: {  	[tilespmem:s21+$0xFFFFFFF0] =	vst v6  }
0xb4: {  	[tilespmem:s21+$0x30] =	vst v7  }
0xb5: {  	v6 =	vld.idx.msk [tilespmem:v8+s14+$0x0], $0xffff  }
0xb6: {  	v7 =	vld.idx.msk [tilespmem:v9+s14+$0x0], $0xffff  }
0xb7: {  	v60 =	vor.u32 v1, v4  }
0xb8: {  	v61 =	vor.u32 v1, v5  }
0xb9: {  	s19 =	sadd.s32 $0x80, s19  }
0xba: {  	[tilespmem:s19+$0xFFFFFFC0] =	vst v6  }
0xbb: {  	[tilespmem:s19+$0x0] =	vst v7  }
0xbc: {  	v6 =	vld.idx.msk [tilespmem:v60+s14+$0x0], $0xffff  }
0xbd: {  	v7 =	vld.idx.msk [tilespmem:v61+s14+$0x0], $0xffff  }
0xbe: {  	v62 =	vor.u32 v2, v4  }
0xbf: {  	v63 =	vor.u32 v2, v5;
	_ =	sdelay $0x1  }
0xc0: {  	[tilespmem:s19+$0xFFFFFFD0] =	vst v6  }
0xc1: {  	[tilespmem:s19+$0x10] =	vst v7  }
0xc2: {  	v6 =	vld.idx.msk [tilespmem:v62+s14+$0x0], $0xffff  }
0xc3: {  	v7 =	vld.idx.msk [tilespmem:v63+s14+$0x0], $0xffff  }
0xc4: {  	v4 =	vor.u32 v3, v4  }
0xc5: {  	v5 =	vor.u32 v3, v5;
	_ =	sdelay $0x1  }
0xc6: {  	[tilespmem:s19+$0xFFFFFFE0] =	vst v6  }
0xc7: {  	[tilespmem:s19+$0x20] =	vst v7  }
0xc8: {  	v4 =	vld.idx.msk [tilespmem:v4+s14+$0x0], $0xffff  }
0xc9: {  	v5 =	vld.idx.msk [tilespmem:v5+s14+$0x0], $0xffff;
	_ =	sdelay $0x1  }
.Ltmp8:
0xca: {  	_ = 	snop;
	(pc) =	sbr.rel .LBB2_10-.Ltmp8, $4  }
0xcb: {  	_ = 	snop  }
0xcc: {  	s18 =	sshll.u32 s18, $0xA;
	[tilespmem:s19+$0xFFFFFFF0] =	vst v4  }
0xcd: {  	s18 =	sadd.s32 s5, s18;
	[tilespmem:s19+$0x30] =	vst v5  }
0xce: {  	[hbm4b:s18+s3] =	stream.linear.scatter [tilespmem:s15], [sflag:$0x4], $0x2000, $0x38;
	[tilespmem:$0x8000] =	vst v63  }
.LBB2_12:
0xcf: {  	_ =	sfence.sel $0x180000  }
0xd0: {  	[bflag:$0x0] =	sbarrier.arrive $0xFFFF  }
0xd1: {  	p0 =	sne.s32 s0, $0x0;
	_ =	strace $0x90000047  }
0xd2: {  	s0 =	sadd.s32 @!p0 $0x100000, s1;
	[bflag:$0x2] =	sbarrier.arrive $0xFFFF  }
0xd3: {  	[sflag:s0] =	ssyncadd.tile.s32 @!p0 $0x1;
	_ =	shalt  }
.Lfunc_end2:
_tile_overlayer_lowered:
.L_overlay_start_2:
0xd4: {  	(tag) =	ssettag $0x2  }
0xd5: {  	s0 =	rddreg [dreg:$0x0];
	s2 =	stileid.u32  }
0xd6: {  	s1 =	rddreg [dreg:$0x1];
	p0 =	sne.s32 s2, $0x0  }
0xd7: {  	s3 =	rddreg [dreg:$0x2];
	[bflag:$0x3] =	sbarrier.arrive $0xFFFF;
	s2 =	simm.s32 @!p0 $0x1C05  }
0xd8: {  	[timem:s3], [sflag:s2] =	dma.local @!p0 [hbm:s0], s1  }
0xd9: {  	s0 =	simm.s32 @!p0 $0x5  }
0xda: {  	_ =	swait.ge @!p0 [sflag:s0], s1  }
0xdb: {  	s1 =	ssub.s32 @!p0 $0x0, s1;
	[sflag:s0] =	ssyncset.done @!p0 $0x0  }
0xdc: {  	[sflag:s0] =	ssyncadd.s32 @!p0 s1  }
0xdd: {  	[bflag:$0x3] =	sbarrier.arrive $0xFFFF  }
0xde: {  	_ =	shalt  }

// kernel: kernel.7.cloned.1.call-start
scs
__scs_entry_jumppad:
0x0: {  	(pc) =	sbr.rel $0x88, $3  }
0x1: {  	(tag) =	ssettag $0x0;
	lr =	simm.s32 $0x1  }
0x2: {  	[smem:$0x3F9F] =	sst lr;
	_ =	strace $0xD0000000  }
0x3: {  	_ = 	snop  }
0x4: {  	_ = 	snop  }
0x5: {  	_ = 	snop  }
0x6: {  	_ = 	snop  }
0x7: {  	_ = 	snop  }
__scs_overlays_trampoline_lowered:
0x8: {  	[smem:$0x3FAE] =	sst s0  }
0x9: {  	[smem:$0x3FAF] =	sst s1  }
0xa: {  	[smem:$0x3FB0] =	sst s2  }
0xb: {  	[smem:$0x3FB1] =	sst s3  }
0xc: {  	[smem:$0x3FB2] =	sst s4  }
0xd: {  	[smem:$0x3FB3] =	sst s5  }
0xe: {  	[smem:$0x3FB4] =	sst s6  }
0xf: {  	[smem:$0x3FB5] =	sst s7  }
0x10: {  	[smem:$0x3FB6] =	sst s8  }
0x11: {  	[smem:$0x3FB7] =	sst s9;
	s0 =	simm.s32 @!p0 $0x0  }
0x12: {  	s1 =	sld [smem:$0x3F9D];
	s0 =	simm.s32 @p0 $0x1  }
0x13: {  	[smem:$0x3FB8] =	sst s0;
	s0 =	simm.s32 @!p1 $0x0  }
0x14: {  	s2 =	sld [smem:$0x3F9C];
	s0 =	simm.s32 @p1 $0x1  }
0x15: {  	[smem:$0x3FB9] =	sst s0;
	s0 =	simm.s32 @!p2 $0x0  }
0x16: {  	s3 =	sld [smem:$0x3FDB];
	s0 =	simm.s32 @p2 $0x1  }
0x17: {  	s4 =	simm.s32 $0x1BF5;
	[smem:$0x3FBB] =	sst s0  }
0x18: {  	s0 =	sld [smem:$0x3F9E];
	_ =	swait.ge [sflag:s4], $0x0  }
0x19: {  	s7 =	sld [smem:$0x3F9F]  }
0x1a: {  	s8 =	sadd.s32 $0xFFFFE003, lr  }
0x1b: {  	s9 =	sadd.s32 $0xFFFFFEF7, lr;
	s5 =	simm.s32 $0xFFFFFFFF;
	p2 =	slt.u32 s8, $0xFFFFF086  }
0x1c: {  	p1 =	slt.u32 s9, $0xF7A;
	s5 =	simm.s32 @!p2 $0x0  }
0x1d: {  	s5 =	simm.s32 @p1 $0x1;
	p0 =	seq.s32 s7, s2  }
0x1e: {  	s7 =	smul.u32 @!p0 $0xF7A, s2;
	p2 =	seq.s32 @!p0 s5, $0x0  }
0x1f: {  	s9 =	smul.u32 $0xF7A, s1;
	s8 =	simm.s32 @!p0 $0x1BF5;
	p2 =	por !p2, p0  }
0x20: {  	[sflag:s8] =	ssyncset.s32 @!p0 $0xFFFFF086;
	s6 =	sadd.s32 @!p0 s3, s7;
	s7 =	simm.s32 @!p0 $0x108  }
0x21: {  	s3 =	sadd.s32 s3, s9;
	s6 =	sadd.s32 @!p0 $0x88, s6;
	s7 =	simm.s32 @p2 $0x1082  }
0x22: {  	[simem:s7], [sflag:s8] =	dma.local @!p0 [hbm:s6], $0xF7A  }
0x23: {  	s9 =	sor.u32 $0xD0000000, s2;
	s6 =	simm.s32 $0x108;
	_ =	swait.ge @!p0 [sflag:s8], $0x0  }
0x24: {  	s3 =	sadd.s32 $0x88, s3;
	s6 =	simm.s32 @!p1 $0x1082;
	[sflag:s4] =	ssyncset.s32 $0xFFFFF086  }
0x25: {  	[simem:s6], [sflag:s4] =	dma.local [hbm:s3], $0xF7A  }
0x26: {  	[smem:$0x3F9F] =	sst s1;
	(tag) =	ssettag s2;
	_ =	strace s9  }
0x27: {  	s1 =	sld [smem:$0x3FAF]  }
0x28: {  	s2 =	sld [smem:$0x3FB0]  }
0x29: {  	s4 =	sld [smem:$0x3FB2]  }
0x2a: {  	p0 =	seq.s32 s5, $0x0;
	s5 =	sld [smem:$0x3FB3]  }
0x2b: {  	s6 =	sld [smem:$0x3FB4]  }
0x2c: {  	s7 =	sld [smem:$0x3FB5]  }
0x2d: {  	s3 =	simm.s32 $0x108;
	s8 =	sld [smem:$0x3FB6]  }
0x2e: {  	s3 =	simm.s32 @!p0 $0x1082;
	s9 =	sld [smem:$0x3FB7]  }
0x2f: {  	lr =	sadd.s32 s0, s3;
	s0 =	sld [smem:$0x3FAE]  }
0x30: {  	s3 =	sld [smem:$0x3FB1]  }
0x31: {  	[smem:$0x3FBA] =	sst s10  }
0x32: {  	s10 =	sld [smem:$0x3FB8];
	_ =	sdelay $0x3  }
0x33: {  	p0 =	seq.s32 s10, $0x1;
	s10 =	sld [smem:$0x3FBA];
	_ =	sdelay $0x3  }
0x34: {  	[smem:$0x3FBA] =	sst s10  }
0x35: {  	s10 =	sld [smem:$0x3FB9];
	_ =	sdelay $0x3  }
0x36: {  	p1 =	seq.s32 s10, $0x1;
	s10 =	sld [smem:$0x3FBA];
	_ =	sdelay $0x3  }
0x37: {  	[smem:$0x3FBA] =	sst s10  }
0x38: {  	s10 =	sld [smem:$0x3FBB]  }
0x39: {  	_ = 	snop;
	(pc) =	sbr.ind lr, $3  }
0x3a: {  	_ = 	snop  }
0x3b: {  	_ = 	snop  }
0x3c: {  	p2 =	seq.s32 s10, $0x1;
	s10 =	sld [smem:$0x3FBA]  }
0x3d: {  	_ =	shalt  }
0x3e: {  	_ =	shalt  }
0x3f: {  	_ =	shalt  }
0x40: {  	_ =	shalt  }
0x41: {  	_ =	shalt  }
0x42: {  	_ =	shalt  }
0x43: {  	_ =	shalt  }
0x44: {  	_ =	shalt  }
0x45: {  	_ =	shalt  }
0x46: {  	_ =	shalt  }
0x47: {  	_ =	shalt  }
0x48: {  	_ =	shalt  }
0x49: {  	_ =	shalt  }
0x4a: {  	_ =	shalt  }
0x4b: {  	_ =	shalt  }
0x4c: {  	_ =	shalt  }
0x4d: {  	_ =	shalt  }
0x4e: {  	_ =	shalt  }
0x4f: {  	_ =	shalt  }
0x50: {  	_ =	shalt  }
0x51: {  	_ =	shalt  }
0x52: {  	_ =	shalt  }
0x53: {  	_ =	shalt  }
0x54: {  	_ =	shalt  }
0x55: {  	_ =	shalt  }
0x56: {  	_ =	shalt  }
0x57: {  	_ =	shalt  }
0x58: {  	_ =	shalt  }
0x59: {  	_ =	shalt  }
0x5a: {  	_ =	shalt  }
0x5b: {  	_ =	shalt  }
0x5c: {  	_ =	shalt  }
0x5d: {  	_ =	shalt  }
0x5e: {  	_ =	shalt  }
0x5f: {  	_ =	shalt  }
0x60: {  	_ =	shalt  }
0x61: {  	_ =	shalt  }
0x62: {  	_ =	shalt  }
0x63: {  	_ =	shalt  }
0x64: {  	_ =	shalt  }
0x65: {  	_ =	shalt  }
0x66: {  	_ =	shalt  }
0x67: {  	_ =	shalt  }
0x68: {  	_ =	shalt  }
0x69: {  	_ =	shalt  }
0x6a: {  	_ =	shalt  }
0x6b: {  	_ =	shalt  }
0x6c: {  	_ =	shalt  }
0x6d: {  	_ =	shalt  }
0x6e: {  	_ =	shalt  }
0x6f: {  	_ =	shalt  }
0x70: {  	_ =	shalt  }
0x71: {  	_ =	shalt  }
0x72: {  	_ =	shalt  }
0x73: {  	_ =	shalt  }
0x74: {  	_ =	shalt  }
0x75: {  	_ =	shalt  }
0x76: {  	_ =	shalt  }
0x77: {  	_ =	shalt  }
0x78: {  	_ =	shalt  }
0x79: {  	_ =	shalt  }
0x7a: {  	_ =	shalt  }
0x7b: {  	_ =	shalt  }
0x7c: {  	_ =	shalt  }
0x7d: {  	_ =	shalt  }
0x7e: {  	_ =	shalt  }
0x7f: {  	_ =	shalt  }
0x80: {  	_ =	shalt  }
0x81: {  	_ =	shalt  }
0x82: {  	_ =	shalt  }
0x83: {  	_ =	shalt  }
0x84: {  	_ =	shalt  }
0x85: {  	_ =	shalt  }
0x86: {  	_ =	shalt  }
0x87: {  	_ =	shalt  }
.Lfunc_end0:
.L_simem_size_0:
called_computation.1_lowered:
.L_overlay_start_0:
0x88: {  	s2 =	sld [smem:$0x3FD9]  }
0x89: {  	s3 =	sld [smem:$0x3FFE];
	_ =	sdelay $0x1  }
0x8a: {  	s1 =	srdreg.scid  }
0x8b: {  	s0 =	sand.u32 $0x1, s1  }
0x8c: {  	s17 =	sshll.u32 s0, $0xA;
	s2 =	sadd.s32 s3, s2  }
0x8d: {  	s2 =	sadd.s32 s2, s17  }
0x8e: {  	[smem:$0x3FC6] =	sst s2  }
0x8f: {  	_ = 	snop  }
0x90: {  	s2 =	sld [smem:$0x3FC9]  }
0x91: {  	s18 =	sld [smem:$0x3FD0];
	(tm) =	ssettm $0x1  }
0x92: {  	s4 =	sld [smem:$0x3FFB];
	_ =	sdelay $0x3  }
0x93: {  	_ =	strace s4  }
0x94: {  	s4 =	sld [smem:$0x3FFC];
	_ =	sdelay $0x3  }
0x95: {  	_ =	strace s4  }
0x96: {  	s4 =	sld [smem:$0x3FFD];
	_ =	sdelay $0x3  }
0x97: {  	_ =	strace s4  }
0x98: {  	_ =	strace $0x8FFFFFFF  }
0x99: {  	s19 =	sld [smem:$0x3FDB];
	_ =	sdelay $0x1  }
0x9a: {  	s5 =	simm.s32 $_scs_section_size  }
0x9b: {  	s6 =	simm.s32 $_size__tile_overlayer_lowered;
	s7 =	simm.s32 $_tile_overlayer_lowered  }
0x9c: {  	s22 =	simm.s32 $0x1BFF;
	s21 =	sshll.u32 s7, $0x1;
	s4 =	sadd.s32 s5, s19  }
0x9d: {  	s8 =	simm.s32 $0x0;
	s20 =	sshll.u32 s6, $0x1;
	s6 =	sadd.s32 s21, s4  }
0x9e: {  	[timem:s8], [sflag:s22] =	dma.local [hbm:s6], s20  }
0x9f: {  	_ =	swait.ge [sflag:s22], s20  }
0xa0: {  	s5 =	ssub.s32 $0x0, s20;
	[sflag:s22] =	ssyncset.done $0x0  }
0xa1: {  	[sflag:s22] =	ssyncadd.s32 s5;
	_ =	sdelay $0x1  }
0xa2: {  	s23 =	simm.s32 $0x1B8B  }
0xa3: {  	_ =	swait.ge [sflag:s23], $0x1  }
0xa4: {  	[sflag:s23] =	ssyncset.done $0x0  }
0xa5: {  	s25 =	simm.s32 $0x1B8E;
	s24 =	sld [smem:$0x3FFE];
	[sflag:s23] =	ssyncadd.s32 $0xFFFFFFFF  }
0xa6: {  	s26 =	simm.s32 $execute0_lowered;
	[smem:$0x3FD2] =	sst s25  }
0xa7: {  	s6 =	sshll.u32 s26, $0x1;
	_ =	strace $0x80000049;
	[dreg:$0x1] =	wrdreg $0xFFFFFFFF  }
0xa8: {  	s28 =	simm.s32 $_size_execute0_lowered;
	s4 =	sadd.s32 s4, s6;
	[dreg:$0x0] =	wrdreg $0x0  }
0xa9: {  	s6 =	sshll.u32 s28, $0x1;
	[dreg:$0x2] =	wrdreg s4  }
0xaa: {  	[dreg:$0x3] =	wrdreg s6  }
0xab: {  	[dreg:$0x4] =	wrdreg $0xC0  }
0xac: {  	_ =	task [dreg:s8], $0x5FFFF  }
0xad: {  	[dreg:$0x1] =	wrdreg $0xFFFFFFFF  }
0xae: {  	[dreg:$0x0] =	wrdreg $0x60  }
0xaf: {  	[dreg:$0x2] =	wrdreg s24  }
0xb0: {  	[dreg:$0x3] =	wrdreg s2  }
0xb1: {  	[dreg:$0x4] =	wrdreg s18  }
0xb2: {  	[dreg:$0x5] =	wrdreg $0x9  }
0xb3: {  	_ =	task.clear_ibuf [dreg:s8], $0x6FFFF;
	_ =	strace $0x90000049  }
0xb4: {  	s29 =	simm.s32 $0x9;
	_ =	strace $0x8000004B  }
0xb5: {  	_ =	swait.ge [sflag:s29], $0x1  }
0xb6: {  	[sflag:s29] =	ssyncadd.s32 $0xFFFFFFFF  }
0xb7: {  	_ =	strace $0x9000004B  }
0xb8: {  	_ =	sfence  }
0xb9: {  	s30 =	sld [smem:$0x0];
	_ =	sdelay $0x2  }
0xba: {  	s31 =	sshll.u32 s1, $0xD;
	s1 =	sshrl.u32 s1, $0x2  }
0xbb: {  	s3 =	sand.u32 $0x4000, s31;
	s1 =	sadd.s32 s1, s30  }
0xbc: {  	s0 =	sor.u32 s3, s0;
	s1 =	sshll.u32 s1, $0x11  }
0xbd: {  	s0 =	sor.u32 s1, s0  }
0xbe: {  	s0 =	sadd.s32 $0x8F2B, s0  }
0xbf: {  	[sflag:s0] =	ssyncadd.remote.s32 $0x1  }
0xc0: {  	_ =	sfence.sel $0xFFFF  }
0xc1: {  	[dreg:$0x0] =	wrdreg $0xFFFFFFFF;
	(pc) =	sbr.abs _section_cstart, $3  }
0xc2: {  	[dreg:$0x1] =	wrdreg $0xFFFFFFFF  }
0xc3: {  	_ =	task.clear_ibuf [dreg:s8], $0x2FFFF;
	_ =	strace $0x9FFFFFFF  }
0xc4: {  	(tm) =	ssettm $0x7FFFFFFF  }
0xc5: {  	_ =	shalt  }
tec
execute0_lowered:
.L_overlay_start_1:
0x0: {  	(tag) =	ssettag $0x1  }
0x1: {  	s1 =	srdreg.scid;
	s6 =	rddreg [dreg:$0x0]  }
0x2: {  	s0 =	stileid.u32;
	s2 =	rddreg [dreg:$0x1]  }
0x3: {  	s3 =	rddreg [dreg:$0x2];
	s12 =	simm.s32 $0x280;
	s13 =	simm.s32 $0x100  }
0x4: {  	s14 =	simm.s32 $0x4280;
	s15 =	simm.s32 $0x1;
	s16 =	simm.s32 $0x400  }
0x5: {  	s17 =	simm.s32 $0x20000;
	s18 =	simm.s32 $0x8280;
	s19 =	simm.s32 $0x2  }
0x6: {  	s20 =	simm.s32 $0x4;
	s7 =	sand.u32 $0x1, s1;
	s28 =	sshll.u32 s0, $0x1  }
0x7: {  	s21 =	simm.s32 $0xA280;
	s22 =	simm.s32 $0x3;
	s5 =	sor.u32 s7, s28  }
0x8: {  	s23 =	simm.s32 $0x0;
	s6 =	sadd.s32 $0x800, s6;
	s4 =	smul.u32 $0x50, s5  }
0x9: {  	s7 =	ssub.s32 $0x2, s7;
	s8 =	smul.u32 $0x14000, s5;
	s5 =	simm.s32 $0x0  }
0xa: {  	v0 =	vlaneseq.u32;
	s31 =	sshrl.u32 s7, $0x1;
	s9 =	sand.u32 $0x380, s4;
	s10 =	sshll.u32 s4, $0xA  }
0xb: {  	v0 =	vmul.u32 $0x80, v0;
	s11 =	sshll.u32 s4, $0x7;
	s8 =	sor.u32 s8, s9;
	s29 =	sand.u32 $0x3E0000, s10  }
0xc: {  	[smem:$0x7FF] =	sst s5;
	s30 =	sand.u32 $0x60000, s11;
	s8 =	ssub.s32 s8, s29  }
0xd: {  	v1 =	vor.u32 $0x800, v0;
	_ =	strace $0x8000004A;
	s9 =	ssub.s32 s7, s31;
	s8 =	sadd.s32 s30, s8  }
0xe: {  	v2 =	vor.u32 $0x1000, v0;
	v3 =	vor.u32 $0x1800, v0;
	v4 =	vor.u32 $0x2000, v0;
	s10 =	simm.s32 $0x5;
	s11 =	simm.s32 $0x80;
	s8 =	sshrl.u32 s8, $0x3  }
0xf: {  	v5 =	vor.u32 $0x2800, v0;
	v6 =	vor.u32 $0x3000, v0;
	v7 =	vor.u32 $0x3800, v0;
	s9 =	smax.u32 s9, $0x1;
	s7 =	sadd.s32 s2, s8;
	s8 =	sor.u32 $0x2, s4  }
.LBB2_1:
0x10: {  	[tilespmem:s5], [sflag:$0x5] =	stream.linear.gather [hbm4b:s7+s5], $0x80, $0x38;
	[tilespmem:$0xC280] =	vst v63  }
0x11: {  	_ =	swait.ge [sflag:s10], $0x80  }
0x12: {  	[sflag:s10] =	ssyncset.done $0x0  }
0x13: {  	[sflag:s10] =	ssyncadd.s32 $0xFFFFFF80  }
0x14: {  	v8 =	vld [tilespmem:$0x0];
	_ =	sdelay $0x1  }
0x15: {  	v9 =	vld [tilespmem:$0x10];
	_ =	sdelay $0x1  }
0x16: {  	v10 =	vld [tilespmem:$0x20]  }
0x17: {  	v11 =	vshra.s32 v8, $0x1;
	v8 =	vshll.u32 v8, $0x6  }
0x18: {  	v58 =	vld [tilespmem:$0x30];
	[tilespmem:$0x80] =	vst v11;
	v8 =	vand.u32 $0x40, v8  }
0x19: {  	[tilespmem:$0x180] =	vst v8;
	v8 =	vshra.s32 v9, $0x1;
	v9 =	vshll.u32 v9, $0x6  }
0x1a: {  	v59 =	vld [tilespmem:$0x40];
	[tilespmem:$0x90] =	vst v8;
	v8 =	vand.u32 $0x40, v9  }
0x1b: {  	[tilespmem:$0x190] =	vst v8;
	v8 =	vshra.s32 v10, $0x1;
	v10 =	vshll.u32 v10, $0x6  }
0x1c: {  	v60 =	vld [tilespmem:$0x50];
	[tilespmem:$0xA0] =	vst v8;
	v8 =	vand.u32 $0x40, v10  }
0x1d: {  	v11 =	vshll.u32 v58, $0x6;
	[tilespmem:$0x1A0] =	vst v8;
	v8 =	vshra.s32 v58, $0x1  }
0x1e: {  	v61 =	vld [tilespmem:$0x60];
	[tilespmem:$0xB0] =	vst v8;
	v8 =	vand.u32 $0x40, v11  }
0x1f: {  	v9 =	vshll.u32 v59, $0x6;
	[tilespmem:$0x1B0] =	vst v8;
	v8 =	vshra.s32 v59, $0x1  }
0x20: {  	v62 =	vld [tilespmem:$0x70];
	[tilespmem:$0xC0] =	vst v8;
	v8 =	vand.u32 $0x40, v9  }
0x21: {  	v10 =	vshll.u32 v60, $0x6;
	[tilespmem:$0x1C0] =	vst v8;
	v8 =	vshra.s32 v60, $0x1  }
0x22: {  	[tilespmem:$0xD0] =	vst v8;
	v8 =	vand.u32 $0x40, v10  }
0x23: {  	v63 =	vshll.u32 v61, $0x6;
	[tilespmem:$0x1D0] =	vst v8;
	v8 =	vshra.s32 v61, $0x1  }
0x24: {  	[tilespmem:$0xE0] =	vst v8;
	v8 =	vand.u32 $0x40, v63  }
0x25: {  	v9 =	vshll.u32 v62, $0x6;
	[tilespmem:$0x1E0] =	vst v8;
	v8 =	vshra.s32 v62, $0x1  }
0x26: {  	[tilespmem:$0xF0] =	vst v8;
	v8 =	vand.u32 $0x40, v9  }
0x27: {  	s24 =	simm.s32 $0x0;
	[tilespmem:$0x1F0] =	vst v8  }
0x28: {  	[tilespmem:s12], [sflag:$0x1] =	stream.indirect.gather [hbm4b:s6+s11], $0x80, s11, s11, $0xb8;
	[tilespmem:$0xC280] =	vst v63  }
.LBB2_2:
0x29: {  	s28 =	sshll.u32 s24, $0x1  }
0x2a: {  	s25 =	sadd.s32 s28, s4  }
0x2b: {  	s29 =	sadd.s32 $0x1, s25  }
0x2c: {  	s25 =	sshrl.u32 s29, $0x7  }
0x2d: {  	s26 =	sshll.u32 s29, $0x7;
	s30 =	sshll.u32 s29, $0xA;
	s31 =	sshll.u32 s25, $0x11  }
0x2e: {  	s1 =	sand.u32 $0x7FFE0000, s26;
	s26 =	ssub.s32 s30, s31  }
0x2f: {  	s29 =	sand.u32 $0x380, s29;
	s1 =	sadd.s32 s26, s1  }
0x30: {  	s1 =	sor.u32 s29, s1  }
0x31: {  	s1 =	sshrl.u32 s1, $0x3  }
0x32: {  	s1 =	sadd.s32 s2, s1  }
0x33: {  	[tilespmem:s5], [sflag:$0x5] =	stream.linear.gather [hbm4b:s1+s5], $0x80, $0x38;
	[tilespmem:$0xC280] =	vst v63  }
0x34: {  	_ =	swait.ge [sflag:s10], $0x80  }
0x35: {  	[sflag:s10] =	ssyncset.done $0x0  }
0x36: {  	[sflag:s10] =	ssyncadd.s32 $0xFFFFFF80  }
0x37: {  	v8 =	vld [tilespmem:$0x0];
	_ =	sdelay $0x1  }
0x38: {  	v9 =	vld [tilespmem:$0x10];
	_ =	sdelay $0x1  }
0x39: {  	v10 =	vld [tilespmem:$0x20]  }
0x3a: {  	v11 =	vshra.s32 v8, $0x1;
	v8 =	vshll.u32 v8, $0x6  }
0x3b: {  	[tilespmem:$0x100] =	vst v11;
	v8 =	vand.u32 $0x40, v8;
	v11 =	vld [tilespmem:$0x30]  }
0x3c: {  	[tilespmem:$0x200] =	vst v8;
	v8 =	vshra.s32 v9, $0x1;
	v9 =	vshll.u32 v9, $0x6  }
0x3d: {  	[tilespmem:$0x110] =	vst v8;
	v8 =	vand.u32 $0x40, v9;
	v9 =	vld [tilespmem:$0x40]  }
0x3e: {  	[tilespmem:$0x210] =	vst v8;
	v8 =	vshra.s32 v10, $0x1;
	v10 =	vshll.u32 v10, $0x6  }
0x3f: {  	[tilespmem:$0x120] =	vst v8;
	v8 =	vand.u32 $0x40, v10;
	v10 =	vld [tilespmem:$0x50]  }
0x40: {  	[tilespmem:$0x220] =	vst v8;
	v8 =	vshra.s32 v11, $0x1;
	v11 =	vshll.u32 v11, $0x6  }
0x41: {  	[tilespmem:$0x130] =	vst v8;
	v8 =	vand.u32 $0x40, v11;
	v11 =	vld [tilespmem:$0x60]  }
0x42: {  	[tilespmem:$0x230] =	vst v8;
	v8 =	vshra.s32 v9, $0x1;
	v9 =	vshll.u32 v9, $0x6  }
0x43: {  	[tilespmem:$0x140] =	vst v8;
	v8 =	vand.u32 $0x40, v9;
	v9 =	vld [tilespmem:$0x70]  }
0x44: {  	[tilespmem:$0x240] =	vst v8;
	v8 =	vshra.s32 v10, $0x1;
	v10 =	vshll.u32 v10, $0x6  }
0x45: {  	[tilespmem:$0x150] =	vst v8;
	v8 =	vand.u32 $0x40, v10  }
0x46: {  	[tilespmem:$0x250] =	vst v8;
	v8 =	vshra.s32 v11, $0x1;
	v10 =	vshll.u32 v11, $0x6  }
0x47: {  	[tilespmem:$0x160] =	vst v8;
	v8 =	vand.u32 $0x40, v10  }
0x48: {  	[tilespmem:$0x260] =	vst v8;
	v8 =	vshra.s32 v9, $0x1;
	v9 =	vshll.u32 v9, $0x6  }
0x49: {  	[tilespmem:$0x170] =	vst v8;
	v8 =	vand.u32 $0x40, v9  }
0x4a: {  	[tilespmem:$0x270] =	vst v8  }
0x4b: {  	[tilespmem:s14], [sflag:$0x2] =	stream.indirect.gather [hbm4b:s6+s11], $0x80, s13, s11, $0xb8;
	[tilespmem:$0xC280] =	vst v63  }
0x4c: {  	_ =	swait.ge [sflag:s15], $0x4000  }
0x4d: {  	p0 =	seq.s32 s24, $0x0;
	[sflag:s15] =	ssyncset.done $0x0  }
0x4e: {  	s1 =	simm.s32 @!p0 $0x3;
	[sflag:s15] =	ssyncadd.s32 $0xFFFFC000  }
0x4f: {  	_ =	swait.ge @!p0 [sflag:s1], $0x2000  }
0x50: {  	[sflag:s1] =	ssyncset.done @!p0 $0x0  }
0x51: {  	[sflag:s1] =	ssyncadd.s32 @!p0 $0xFFFFE000  }
0x52: {  	v15 =	vld [tilespmem:$0x180];
	_ =	sdelay $0x3  }
0x53: {  	s1 =	simm.s32 $0x0  }
0x54: {  	v8 =	vadd.s32 s1, v15  }
0x55: {  	v8 =	vadd.s32 v0, v8;
	_ =	sdelay $0x1  }
0x56: {  	v14 =	vld [tilespmem:$0x190];
	_ =	sdelay $0x2  }
0x57: {  	v8 =	vld.idx.msk [tilespmem:v8+s12+$0x0], $0xffff;
	_ =	sdelay $0x1  }
0x58: {  	v13 =	vld [tilespmem:$0x1A0];
	v9 =	vadd.s32 s1, v14  }
0x59: {  	v12 =	vld [tilespmem:$0x1B0];
	v16 =	vadd.s32 v1, v9  }
0x5a: {  	v11 =	vld [tilespmem:$0x1C0]  }
0x5b: {  	v10 =	vld [tilespmem:$0x1D0];
	v17 =	vmul.f32 $8.000000000e+00, v8  }
0x5c: {  	s29 =	simm.s32 $0x82C0;
	v9 =	vld [tilespmem:$0x1E0]  }
0x5d: {  	v8 =	vld [tilespmem:$0x1F0];
	[tilespmem:s29+$0xFFFFFFC0] =	vst v17  }
0x5e: {  	v16 =	vld.idx.msk [tilespmem:v16+s12+$0x0], $0xffff;
	_ =	sdelay $0x1  }
0x5f: {  	v17 =	vadd.s32 s1, v13  }
0x60: {  	v17 =	vadd.s32 v2, v17;
	_ =	sdelay $0x1  }
0x61: {  	v16 =	vmul.f32 $8.000000000e+00, v16;
	_ =	sdelay $0x1  }
0x62: {  	[tilespmem:s29+$0xFFFFFFD0] =	vst v16  }
0x63: {  	v16 =	vld.idx.msk [tilespmem:v17+s12+$0x0], $0xffff;
	_ =	sdelay $0x1  }
0x64: {  	v17 =	vadd.s32 s1, v12  }
0x65: {  	v17 =	vadd.s32 v3, v17;
	_ =	sdelay $0x1  }
0x66: {  	v16 =	vmul.f32 $8.000000000e+00, v16;
	_ =	sdelay $0x1  }
0x67: {  	[tilespmem:s29+$0xFFFFFFE0] =	vst v16  }
0x68: {  	v16 =	vld.idx.msk [tilespmem:v17+s12+$0x0], $0xffff;
	_ =	sdelay $0x1  }
0x69: {  	v17 =	vadd.s32 s1, v11  }
0x6a: {  	v17 =	vadd.s32 v4, v17;
	_ =	sdelay $0x1  }
0x6b: {  	v16 =	vmul.f32 $8.000000000e+00, v16;
	_ =	sdelay $0x1  }
0x6c: {  	[tilespmem:s29+$0xFFFFFFF0] =	vst v16  }
0x6d: {  	v16 =	vld.idx.msk [tilespmem:v17+s12+$0x0], $0xffff;
	_ =	sdelay $0x1  }
0x6e: {  	v17 =	vadd.s32 s1, v10  }
0x6f: {  	v17 =	vadd.s32 v5, v17;
	_ =	sdelay $0x1  }
0x70: {  	v16 =	vmul.f32 $8.000000000e+00, v16;
	_ =	sdelay $0x1  }
0x71: {  	[tilespmem:s29+$0x0] =	vst v16  }
0x72: {  	v16 =	vld.idx.msk [tilespmem:v17+s12+$0x0], $0xffff;
	_ =	sdelay $0x1  }
0x73: {  	v17 =	vadd.s32 s1, v9  }
0x74: {  	v17 =	vadd.s32 v6, v17;
	_ =	sdelay $0x1  }
0x75: {  	v16 =	vmul.f32 $8.000000000e+00, v16;
	_ =	sdelay $0x1  }
0x76: {  	[tilespmem:s29+$0x10] =	vst v16  }
0x77: {  	v16 =	vld.idx.msk [tilespmem:v17+s12+$0x0], $0xffff;
	_ =	sdelay $0x1  }
0x78: {  	v17 =	vadd.s32 s1, v8  }
0x79: {  	v17 =	vadd.s32 v7, v17;
	_ =	sdelay $0x1  }
0x7a: {  	v16 =	vmul.f32 $8.000000000e+00, v16;
	_ =	sdelay $0x1  }
0x7b: {  	[tilespmem:s29+$0x20] =	vst v16  }
0x7c: {  	v16 =	vld.idx.msk [tilespmem:v17+s12+$0x0], $0xffff  }
0x7d: {  	s30 =	simm.s32 $0x1  }
0x7e: {  	s31 =	simm.s32 $0x2;
	v17 =	vadd.s32 s30, v15  }
.LBB2_3:
0x7f: {  	p1 =	sne.s32 s31, $0x3F;
	v17 =	vadd.s32 v0, v17;
	_ =	sdelay $0x1  }
0x80: {  	v16 =	vmul.f32 $8.000000000e+00, v16;
	_ =	sdelay $0x1  }
0x81: {  	[tilespmem:s29+$0x30] =	vst v16  }
0x82: {  	v16 =	vld.idx.msk [tilespmem:v17+s12+$0x0], $0xffff;
	_ =	sdelay $0x2  }
0x83: {  	v17 =	vadd.s32 s30, v14  }
0x84: {  	v17 =	vadd.s32 v1, v17;
	_ =	sdelay $0x1  }
0x85: {  	v16 =	vmul.f32 $8.000000000e+00, v16  }
0x86: {  	s29 =	sadd.s32 $0x80, s29  }
0x87: {  	[tilespmem:s29+$0xFFFFFFC0] =	vst v16  }
0x88: {  	v16 =	vld.idx.msk [tilespmem:v17+s12+$0x0], $0xffff;
	_ =	sdelay $0x2  }
0x89: {  	v17 =	vadd.s32 s30, v13  }
0x8a: {  	v17 =	vadd.s32 v2, v17;
	_ =	sdelay $0x1  }
0x8b: {  	v16 =	vmul.f32 $8.000000000e+00, v16;
	_ =	sdelay $0x1  }
0x8c: {  	[tilespmem:s29+$0xFFFFFFD0] =	vst v16  }
0x8d: {  	v16 =	vld.idx.msk [tilespmem:v17+s12+$0x0], $0xffff;
	_ =	sdelay $0x2  }
0x8e: {  	v17 =	vadd.s32 s30, v12  }
0x8f: {  	v17 =	vadd.s32 v3, v17;
	_ =	sdelay $0x1  }
0x90: {  	v16 =	vmul.f32 $8.000000000e+00, v16;
	_ =	sdelay $0x1  }
0x91: {  	[tilespmem:s29+$0xFFFFFFE0] =	vst v16  }
0x92: {  	v16 =	vld.idx.msk [tilespmem:v17+s12+$0x0], $0xffff;
	_ =	sdelay $0x2  }
0x93: {  	v17 =	vadd.s32 s30, v11  }
0x94: {  	v17 =	vadd.s32 v4, v17;
	_ =	sdelay $0x1  }
0x95: {  	v16 =	vmul.f32 $8.000000000e+00, v16;
	_ =	sdelay $0x1  }
0x96: {  	[tilespmem:s29+$0xFFFFFFF0] =	vst v16  }
0x97: {  	v16 =	vld.idx.msk [tilespmem:v17+s12+$0x0], $0xffff;
	_ =	sdelay $0x2  }
0x98: {  	v17 =	vadd.s32 s30, v10  }
0x99: {  	v17 =	vadd.s32 v5, v17;
	_ =	sdelay $0x1  }
0x9a: {  	v16 =	vmul.f32 $8.000000000e+00, v16;
	_ =	sdelay $0x1  }
0x9b: {  	[tilespmem:s29+$0x0] =	vst v16  }
0x9c: {  	v16 =	vld.idx.msk [tilespmem:v17+s12+$0x0], $0xffff;
	_ =	sdelay $0x2  }
0x9d: {  	v17 =	vadd.s32 s30, v9  }
0x9e: {  	v17 =	vadd.s32 v6, v17;
	_ =	sdelay $0x1  }
0x9f: {  	v16 =	vmul.f32 $8.000000000e+00, v16;
	_ =	sdelay $0x1  }
0xa0: {  	[tilespmem:s29+$0x10] =	vst v16  }
0xa1: {  	v16 =	vld.idx.msk [tilespmem:v17+s12+$0x0], $0xffff;
	_ =	sdelay $0x2  }
0xa2: {  	v17 =	vadd.s32 s30, v8;
	s30 =	smov.u32 s31  }
0xa3: {  	v17 =	vadd.s32 v7, v17;
	_ =	sdelay $0x1  }
0xa4: {  	v16 =	vmul.f32 $8.000000000e+00, v16;
	_ =	sdelay $0x1  }
.Ltmp0:
0xa5: {  	[tilespmem:s29+$0x20] =	vst v16;
	(pc) =	sbr.rel @p1 .LBB2_3-.Ltmp0, $2  }
0xa6: {  	v16 =	vld.idx.msk [tilespmem:v17+s12+$0x0], $0xffff;
	_ =	sdelay $0x2  }
0xa7: {  	s31 =	sadd.s32 $0x1, s31;
	v17 =	vadd.s32 s30, v15  }
0xa8: {  	v15 =	vadd.s32 v0, v17;
	_ =	sdelay $0x1  }
0xa9: {  	v16 =	vmul.f32 $8.000000000e+00, v16;
	_ =	sdelay $0x1  }
0xaa: {  	[tilespmem:s29+$0x30] =	vst v16  }
0xab: {  	v15 =	vld.idx.msk [tilespmem:v15+s12+$0x0], $0xffff;
	_ =	sdelay $0x1  }
0xac: {  	v14 =	vadd.s32 s30, v14  }
0xad: {  	v14 =	vadd.s32 v1, v14;
	_ =	sdelay $0x1  }
0xae: {  	v15 =	vmul.f32 $8.000000000e+00, v15  }
0xaf: {  	s1 =	sadd.s32 $0x80, s29  }
0xb0: {  	[tilespmem:s1+$0xFFFFFFC0] =	vst v15  }
0xb1: {  	v14 =	vld.idx.msk [tilespmem:v14+s12+$0x0], $0xffff;
	_ =	sdelay $0x1  }
0xb2: {  	v13 =	vadd.s32 s30, v13  }
0xb3: {  	v13 =	vadd.s32 v2, v13;
	_ =	sdelay $0x1  }
0xb4: {  	v14 =	vmul.f32 $8.000000000e+00, v14;
	_ =	sdelay $0x1  }
0xb5: {  	[tilespmem:s1+$0xFFFFFFD0] =	vst v14  }
0xb6: {  	v13 =	vld.idx.msk [tilespmem:v13+s12+$0x0], $0xffff;
	_ =	sdelay $0x1  }
0xb7: {  	v12 =	vadd.s32 s30, v12  }
0xb8: {  	v12 =	vadd.s32 v3, v12;
	_ =	sdelay $0x1  }
0xb9: {  	v13 =	vmul.f32 $8.000000000e+00, v13;
	_ =	sdelay $0x1  }
0xba: {  	[tilespmem:s1+$0xFFFFFFE0] =	vst v13  }
0xbb: {  	v12 =	vld.idx.msk [tilespmem:v12+s12+$0x0], $0xffff;
	_ =	sdelay $0x1  }
0xbc: {  	v11 =	vadd.s32 s30, v11  }
0xbd: {  	v11 =	vadd.s32 v4, v11;
	_ =	sdelay $0x1  }
0xbe: {  	v12 =	vmul.f32 $8.000000000e+00, v12;
	_ =	sdelay $0x1  }
0xbf: {  	[tilespmem:s1+$0xFFFFFFF0] =	vst v12  }
0xc0: {  	v11 =	vld.idx.msk [tilespmem:v11+s12+$0x0], $0xffff;
	_ =	sdelay $0x1  }
0xc1: {  	v10 =	vadd.s32 s30, v10  }
0xc2: {  	v10 =	vadd.s32 v5, v10;
	_ =	sdelay $0x1  }
0xc3: {  	v11 =	vmul.f32 $8.000000000e+00, v11;
	_ =	sdelay $0x1  }
0xc4: {  	[tilespmem:s1+$0x0] =	vst v11  }
0xc5: {  	v10 =	vld.idx.msk [tilespmem:v10+s12+$0x0], $0xffff;
	_ =	sdelay $0x1  }
0xc6: {  	v9 =	vadd.s32 s30, v9  }
0xc7: {  	v9 =	vadd.s32 v6, v9;
	_ =	sdelay $0x1  }
0xc8: {  	v10 =	vmul.f32 $8.000000000e+00, v10;
	_ =	sdelay $0x1  }
0xc9: {  	[tilespmem:s1+$0x10] =	vst v10  }
0xca: {  	v9 =	vld.idx.msk [tilespmem:v9+s12+$0x0], $0xffff;
	_ =	sdelay $0x1  }
0xcb: {  	v8 =	vadd.s32 s30, v8  }
0xcc: {  	v8 =	vadd.s32 v7, v8;
	_ =	sdelay $0x1  }
0xcd: {  	v9 =	vmul.f32 $8.000000000e+00, v9;
	_ =	sdelay $0x1  }
0xce: {  	[tilespmem:s1+$0x20] =	vst v9  }
0xcf: {  	v8 =	vld.idx.msk [tilespmem:v8+s12+$0x0], $0xffff  }
0xd0: {  	s31 =	sadd.s32 s4, s28  }
0xd1: {  	s30 =	sshrl.u32 s31, $0x7  }
0xd2: {  	p1 =	sne.s32 s24, $0x27;
	s29 =	sshll.u32 s31, $0xA;
	s31 =	sshll.u32 s30, $0x11  }
.Ltmp1:
0xd3: {  	s30 =	sshll.u32 s30, $0x14;
	s29 =	ssub.s32 s29, s31;
	(pc) =	sbr.rel @p1 .LBB2_6-.Ltmp1, $4  }
0xd4: {  	s29 =	sadd.s32 s30, s29;
	v8 =	vmul.f32 $8.000000000e+00, v8  }
0xd5: {  	s29 =	sshrl.u32 s29, $0x3  }
0xd6: {  	s31 =	sadd.s32 s3, s29;
	[tilespmem:s1+$0x30] =	vst v8  }
0xd7: {  	[hbm4b:s31+s16] =	stream.strided.scatter [tilespmem:s18], [sflag:$0x3], $0x2000, s17, s16, $0x38;
	[tilespmem:$0xC280] =	vst v63  }
.Ltmp2:
0xd8: {  	(pc) =	sbr.rel .LBB2_7-.Ltmp2, $4  }
0xd9: {  	_ = 	snop  }
0xda: {  	_ =	swait.ge [sflag:s19], $0x4000  }
0xdb: {  	[sflag:s19] =	ssyncset.done $0x0  }
0xdc: {  	[sflag:s19] =	ssyncadd.s32 $0xFFFFC000  }
.LBB2_6:
0xdd: {  	s1 =	sadd.s32 s28, s8  }
0xde: {  	s28 =	sshll.u32 s1, $0xA;
	s29 =	sand.u32 $0x380, s1  }
0xdf: {  	s1 =	sshll.u32 s1, $0x7;
	s29 =	sor.u32 s28, s29;
	s28 =	sand.u32 $0xFFFE0000, s28  }
0xe0: {  	s1 =	sand.u32 $0x7FFE0000, s1;
	s28 =	ssub.s32 s29, s28  }
0xe1: {  	s1 =	sadd.s32 s1, s28  }
0xe2: {  	s1 =	sshrl.u32 s1, $0x3  }
0xe3: {  	s1 =	sadd.s32 s2, s1  }
0xe4: {  	[tilespmem:s5], [sflag:$0x5] =	stream.linear.gather [hbm4b:s1+s5], $0x80, $0x38;
	[tilespmem:$0xC280] =	vst v63  }
0xe5: {  	_ =	swait.ge [sflag:s10], $0x80  }
0xe6: {  	[sflag:s10] =	ssyncset.done $0x0  }
0xe7: {  	[sflag:s10] =	ssyncadd.s32 $0xFFFFFF80  }
0xe8: {  	v8 =	vld [tilespmem:$0x0];
	_ =	sdelay $0x1  }
0xe9: {  	v9 =	vld [tilespmem:$0x10];
	_ =	sdelay $0x1  }
0xea: {  	v10 =	vld [tilespmem:$0x20]  }
0xeb: {  	v11 =	vshra.s32 v8, $0x1;
	v8 =	vshll.u32 v8, $0x6  }
0xec: {  	v58 =	vld [tilespmem:$0x30];
	[tilespmem:$0x80] =	vst v11;
	v8 =	vand.u32 $0x40, v8  }
0xed: {  	[tilespmem:$0x180] =	vst v8;
	v8 =	vshra.s32 v9, $0x1;
	v9 =	vshll.u32 v9, $0x6  }
0xee: {  	v59 =	vld [tilespmem:$0x40];
	[tilespmem:$0x90] =	vst v8;
	v8 =	vand.u32 $0x40, v9  }
0xef: {  	[tilespmem:$0x190] =	vst v8;
	v8 =	vshra.s32 v10, $0x1;
	v10 =	vshll.u32 v10, $0x6  }
0xf0: {  	v60 =	vld [tilespmem:$0x50];
	[tilespmem:$0xA0] =	vst v8;
	v8 =	vand.u32 $0x40, v10  }
0xf1: {  	v11 =	vshll.u32 v58, $0x6;
	[tilespmem:$0x1A0] =	vst v8;
	v8 =	vshra.s32 v58, $0x1  }
0xf2: {  	v61 =	vld [tilespmem:$0x60];
	[tilespmem:$0xB0] =	vst v8;
	v8 =	vand.u32 $0x40, v11  }
0xf3: {  	v9 =	vshll.u32 v59, $0x6;
	[tilespmem:$0x1B0] =	vst v8;
	v8 =	vshra.s32 v59, $0x1  }
0xf4: {  	v62 =	vld [tilespmem:$0x70];
	[tilespmem:$0xC0] =	vst v8;
	v8 =	vand.u32 $0x40, v9  }
0xf5: {  	v10 =	vshll.u32 v60, $0x6;
	[tilespmem:$0x1C0] =	vst v8;
	v8 =	vshra.s32 v60, $0x1  }
0xf6: {  	[tilespmem:$0xD0] =	vst v8;
	v8 =	vand.u32 $0x40, v10  }
0xf7: {  	v63 =	vshll.u32 v61, $0x6;
	[tilespmem:$0x1D0] =	vst v8;
	v8 =	vshra.s32 v61, $0x1  }
0xf8: {  	[tilespmem:$0xE0] =	vst v8;
	v8 =	vand.u32 $0x40, v63  }
0xf9: {  	v9 =	vshll.u32 v62, $0x6;
	[tilespmem:$0x1E0] =	vst v8;
	v8 =	vshra.s32 v62, $0x1  }
0xfa: {  	[tilespmem:$0xF0] =	vst v8;
	v8 =	vand.u32 $0x40, v9  }
.Ltmp3:
0xfb: {  	[tilespmem:$0x1F0] =	vst v8;
	(pc) =	sbr.rel @p0 .LBB2_8-.Ltmp3, $4  }
0xfc: {  	[tilespmem:s12], [sflag:$0x1] =	stream.indirect.gather [hbm4b:s6+s11], $0x80, s11, s11, $0xb8;
	[tilespmem:$0xC280] =	vst v63  }
0xfd: {  	_ =	swait.ge [sflag:s19], $0x4000  }
0xfe: {  	[sflag:s19] =	ssyncset.done $0x0  }
0xff: {  	[sflag:s19] =	ssyncadd.s32 $0xFFFFC000  }
.LBB2_7:
0x100: {  	_ =	swait.ge [sflag:s20], $0x2000  }
0x101: {  	[sflag:s20] =	ssyncset.done $0x0  }
0x102: {  	[sflag:s20] =	ssyncadd.s32 $0xFFFFE000  }
.LBB2_8:
0x103: {  	v15 =	vld [tilespmem:$0x200];
	_ =	sdelay $0x3  }
0x104: {  	s1 =	simm.s32 $0x0  }
0x105: {  	v8 =	vadd.s32 s1, v15  }
0x106: {  	v8 =	vadd.s32 v0, v8;
	_ =	sdelay $0x1  }
0x107: {  	v14 =	vld [tilespmem:$0x210];
	_ =	sdelay $0x2  }
0x108: {  	v8 =	vld.idx.msk [tilespmem:v8+s14+$0x0], $0xffff;
	_ =	sdelay $0x1  }
0x109: {  	v13 =	vld [tilespmem:$0x220];
	v9 =	vadd.s32 s1, v14  }
0x10a: {  	v12 =	vld [tilespmem:$0x230];
	v16 =	vadd.s32 v1, v9  }
0x10b: {  	v11 =	vld [tilespmem:$0x240]  }
0x10c: {  	v10 =	vld [tilespmem:$0x250];
	v17 =	vmul.f32 $8.000000000e+00, v8  }
0x10d: {  	s28 =	simm.s32 $0xA2C0;
	v9 =	vld [tilespmem:$0x260]  }
0x10e: {  	v8 =	vld [tilespmem:$0x270];
	[tilespmem:s28+$0xFFFFFFC0] =	vst v17  }
0x10f: {  	v16 =	vld.idx.msk [tilespmem:v16+s14+$0x0], $0xffff;
	_ =	sdelay $0x1  }
0x110: {  	v17 =	vadd.s32 s1, v13  }
0x111: {  	v17 =	vadd.s32 v2, v17;
	_ =	sdelay $0x1  }
0x112: {  	v16 =	vmul.f32 $8.000000000e+00, v16;
	_ =	sdelay $0x1  }
0x113: {  	[tilespmem:s28+$0xFFFFFFD0] =	vst v16  }
0x114: {  	v16 =	vld.idx.msk [tilespmem:v17+s14+$0x0], $0xffff;
	_ =	sdelay $0x1  }
0x115: {  	v17 =	vadd.s32 s1, v12  }
0x116: {  	v17 =	vadd.s32 v3, v17;
	_ =	sdelay $0x1  }
0x117: {  	v16 =	vmul.f32 $8.000000000e+00, v16;
	_ =	sdelay $0x1  }
0x118: {  	[tilespmem:s28+$0xFFFFFFE0] =	vst v16  }
0x119: {  	v16 =	vld.idx.msk [tilespmem:v17+s14+$0x0], $0xffff;
	_ =	sdelay $0x1  }
0x11a: {  	v17 =	vadd.s32 s1, v11  }
0x11b: {  	v17 =	vadd.s32 v4, v17;
	_ =	sdelay $0x1  }
0x11c: {  	v16 =	vmul.f32 $8.000000000e+00, v16;
	_ =	sdelay $0x1  }
0x11d: {  	[tilespmem:s28+$0xFFFFFFF0] =	vst v16  }
0x11e: {  	v16 =	vld.idx.msk [tilespmem:v17+s14+$0x0], $0xffff;
	_ =	sdelay $0x1  }
0x11f: {  	v17 =	vadd.s32 s1, v10  }
0x120: {  	v17 =	vadd.s32 v5, v17;
	_ =	sdelay $0x1  }
0x121: {  	v16 =	vmul.f32 $8.000000000e+00, v16;
	_ =	sdelay $0x1  }
0x122: {  	[tilespmem:s28+$0x0] =	vst v16  }
0x123: {  	v16 =	vld.idx.msk [tilespmem:v17+s14+$0x0], $0xffff;
	_ =	sdelay $0x1  }
0x124: {  	v17 =	vadd.s32 s1, v9  }
0x125: {  	v17 =	vadd.s32 v6, v17;
	_ =	sdelay $0x1  }
0x126: {  	v16 =	vmul.f32 $8.000000000e+00, v16;
	_ =	sdelay $0x1  }
0x127: {  	[tilespmem:s28+$0x10] =	vst v16  }
0x128: {  	v16 =	vld.idx.msk [tilespmem:v17+s14+$0x0], $0xffff;
	_ =	sdelay $0x1  }
0x129: {  	v17 =	vadd.s32 s1, v8  }
0x12a: {  	v17 =	vadd.s32 v7, v17;
	_ =	sdelay $0x1  }
0x12b: {  	v16 =	vmul.f32 $8.000000000e+00, v16;
	_ =	sdelay $0x1  }
0x12c: {  	[tilespmem:s28+$0x20] =	vst v16  }
0x12d: {  	v16 =	vld.idx.msk [tilespmem:v17+s14+$0x0], $0xffff  }
0x12e: {  	s29 =	simm.s32 $0x1  }
0x12f: {  	s30 =	simm.s32 $0x2;
	v17 =	vadd.s32 s29, v15  }
.LBB2_9:
0x130: {  	p0 =	sne.s32 s30, $0x3F;
	v17 =	vadd.s32 v0, v17;
	_ =	sdelay $0x1  }
0x131: {  	v16 =	vmul.f32 $8.000000000e+00, v16;
	_ =	sdelay $0x1  }
0x132: {  	[tilespmem:s28+$0x30] =	vst v16  }
0x133: {  	v16 =	vld.idx.msk [tilespmem:v17+s14+$0x0], $0xffff;
	_ =	sdelay $0x2  }
0x134: {  	v17 =	vadd.s32 s29, v14  }
0x135: {  	v17 =	vadd.s32 v1, v17;
	_ =	sdelay $0x1  }
0x136: {  	v16 =	vmul.f32 $8.000000000e+00, v16  }
0x137: {  	s28 =	sadd.s32 $0x80, s28  }
0x138: {  	[tilespmem:s28+$0xFFFFFFC0] =	vst v16  }
0x139: {  	v16 =	vld.idx.msk [tilespmem:v17+s14+$0x0], $0xffff;
	_ =	sdelay $0x2  }
0x13a: {  	v17 =	vadd.s32 s29, v13  }
0x13b: {  	v17 =	vadd.s32 v2, v17;
	_ =	sdelay $0x1  }
0x13c: {  	v16 =	vmul.f32 $8.000000000e+00, v16;
	_ =	sdelay $0x1  }
0x13d: {  	[tilespmem:s28+$0xFFFFFFD0] =	vst v16  }
0x13e: {  	v16 =	vld.idx.msk [tilespmem:v17+s14+$0x0], $0xffff;
	_ =	sdelay $0x2  }
0x13f: {  	v17 =	vadd.s32 s29, v12  }
0x140: {  	v17 =	vadd.s32 v3, v17;
	_ =	sdelay $0x1  }
0x141: {  	v16 =	vmul.f32 $8.000000000e+00, v16;
	_ =	sdelay $0x1  }
0x142: {  	[tilespmem:s28+$0xFFFFFFE0] =	vst v16  }
0x143: {  	v16 =	vld.idx.msk [tilespmem:v17+s14+$0x0], $0xffff;
	_ =	sdelay $0x2  }
0x144: {  	v17 =	vadd.s32 s29, v11  }
0x145: {  	v17 =	vadd.s32 v4, v17;
	_ =	sdelay $0x1  }
0x146: {  	v16 =	vmul.f32 $8.000000000e+00, v16;
	_ =	sdelay $0x1  }
0x147: {  	[tilespmem:s28+$0xFFFFFFF0] =	vst v16  }
0x148: {  	v16 =	vld.idx.msk [tilespmem:v17+s14+$0x0], $0xffff;
	_ =	sdelay $0x2  }
0x149: {  	v17 =	vadd.s32 s29, v10  }
0x14a: {  	v17 =	vadd.s32 v5, v17;
	_ =	sdelay $0x1  }
0x14b: {  	v16 =	vmul.f32 $8.000000000e+00, v16;
	_ =	sdelay $0x1  }
0x14c: {  	[tilespmem:s28+$0x0] =	vst v16  }
0x14d: {  	v16 =	vld.idx.msk [tilespmem:v17+s14+$0x0], $0xffff;
	_ =	sdelay $0x2  }
0x14e: {  	v17 =	vadd.s32 s29, v9  }
0x14f: {  	v17 =	vadd.s32 v6, v17;
	_ =	sdelay $0x1  }
0x150: {  	v16 =	vmul.f32 $8.000000000e+00, v16;
	_ =	sdelay $0x1  }
0x151: {  	[tilespmem:s28+$0x10] =	vst v16  }
0x152: {  	v16 =	vld.idx.msk [tilespmem:v17+s14+$0x0], $0xffff;
	_ =	sdelay $0x2  }
0x153: {  	v17 =	vadd.s32 s29, v8;
	s29 =	smov.u32 s30  }
0x154: {  	v17 =	vadd.s32 v7, v17;
	_ =	sdelay $0x1  }
0x155: {  	v16 =	vmul.f32 $8.000000000e+00, v16;
	_ =	sdelay $0x1  }
.Ltmp4:
0x156: {  	[tilespmem:s28+$0x20] =	vst v16;
	(pc) =	sbr.rel @p0 .LBB2_9-.Ltmp4, $2  }
0x157: {  	v16 =	vld.idx.msk [tilespmem:v17+s14+$0x0], $0xffff;
	_ =	sdelay $0x2  }
0x158: {  	s30 =	sadd.s32 $0x1, s30;
	v17 =	vadd.s32 s29, v15  }
0x159: {  	v15 =	vadd.s32 v0, v17;
	_ =	sdelay $0x1  }
0x15a: {  	v16 =	vmul.f32 $8.000000000e+00, v16;
	_ =	sdelay $0x1  }
0x15b: {  	[tilespmem:s28+$0x30] =	vst v16  }
0x15c: {  	v15 =	vld.idx.msk [tilespmem:v15+s14+$0x0], $0xffff;
	_ =	sdelay $0x1  }
0x15d: {  	v14 =	vadd.s32 s29, v14  }
0x15e: {  	v14 =	vadd.s32 v1, v14;
	_ =	sdelay $0x1  }
0x15f: {  	v15 =	vmul.f32 $8.000000000e+00, v15  }
0x160: {  	s1 =	sadd.s32 $0x80, s28  }
0x161: {  	[tilespmem:s1+$0xFFFFFFC0] =	vst v15  }
0x162: {  	v14 =	vld.idx.msk [tilespmem:v14+s14+$0x0], $0xffff;
	_ =	sdelay $0x1  }
0x163: {  	v13 =	vadd.s32 s29, v13  }
0x164: {  	v13 =	vadd.s32 v2, v13;
	_ =	sdelay $0x1  }
0x165: {  	v14 =	vmul.f32 $8.000000000e+00, v14;
	_ =	sdelay $0x1  }
0x166: {  	[tilespmem:s1+$0xFFFFFFD0] =	vst v14  }
0x167: {  	v13 =	vld.idx.msk [tilespmem:v13+s14+$0x0], $0xffff;
	_ =	sdelay $0x1  }
0x168: {  	v12 =	vadd.s32 s29, v12  }
0x169: {  	v12 =	vadd.s32 v3, v12;
	_ =	sdelay $0x1  }
0x16a: {  	v13 =	vmul.f32 $8.000000000e+00, v13;
	_ =	sdelay $0x1  }
0x16b: {  	[tilespmem:s1+$0xFFFFFFE0] =	vst v13  }
0x16c: {  	v12 =	vld.idx.msk [tilespmem:v12+s14+$0x0], $0xffff;
	_ =	sdelay $0x1  }
0x16d: {  	v11 =	vadd.s32 s29, v11  }
0x16e: {  	v11 =	vadd.s32 v4, v11;
	_ =	sdelay $0x1  }
0x16f: {  	v12 =	vmul.f32 $8.000000000e+00, v12;
	_ =	sdelay $0x1  }
0x170: {  	[tilespmem:s1+$0xFFFFFFF0] =	vst v12  }
0x171: {  	v11 =	vld.idx.msk [tilespmem:v11+s14+$0x0], $0xffff;
	_ =	sdelay $0x1  }
0x172: {  	v10 =	vadd.s32 s29, v10  }
0x173: {  	v10 =	vadd.s32 v5, v10;
	_ =	sdelay $0x1  }
0x174: {  	v11 =	vmul.f32 $8.000000000e+00, v11;
	_ =	sdelay $0x1  }
0x175: {  	[tilespmem:s1+$0x0] =	vst v11  }
0x176: {  	v10 =	vld.idx.msk [tilespmem:v10+s14+$0x0], $0xffff;
	_ =	sdelay $0x1  }
0x177: {  	v9 =	vadd.s32 s29, v9  }
0x178: {  	v9 =	vadd.s32 v6, v9;
	_ =	sdelay $0x1  }
0x179: {  	v10 =	vmul.f32 $8.000000000e+00, v10;
	_ =	sdelay $0x1  }
0x17a: {  	[tilespmem:s1+$0x10] =	vst v10  }
0x17b: {  	v9 =	vld.idx.msk [tilespmem:v9+s14+$0x0], $0xffff;
	_ =	sdelay $0x1  }
0x17c: {  	v8 =	vadd.s32 s29, v8  }
0x17d: {  	v8 =	vadd.s32 v7, v8;
	_ =	sdelay $0x1  }
0x17e: {  	v9 =	vmul.f32 $8.000000000e+00, v9;
	_ =	sdelay $0x1  }
0x17f: {  	[tilespmem:s1+$0x20] =	vst v9  }
0x180: {  	v8 =	vld.idx.msk [tilespmem:v8+s14+$0x0], $0xffff;
	_ =	sdelay $0x1  }
0x181: {  	s24 =	sadd.s32 $0x1, s24  }
0x182: {  	p0 =	sne.s32 s24, $0x28  }
.Ltmp5:
0x183: {  	s25 =	sshll.u32 s25, $0x14;
	(pc) =	sbr.rel @p0 .LBB2_2-.Ltmp5, $4  }
0x184: {  	s25 =	sadd.s32 s25, s26;
	v8 =	vmul.f32 $8.000000000e+00, v8  }
0x185: {  	s25 =	sshrl.u32 s25, $0x3  }
0x186: {  	s31 =	sadd.s32 s3, s25;
	[tilespmem:s1+$0x30] =	vst v8  }
0x187: {  	[hbm4b:s31+s16] =	stream.strided.scatter [tilespmem:s21], [sflag:$0x4], $0x2000, s17, s16, $0x38;
	[tilespmem:$0xC280] =	vst v63  }
0x188: {  	s23 =	sadd.s32 $0x1, s23  }
0x189: {  	_ =	swait.ge [sflag:s22], $0x2000;
	p0 =	sne.s32 s23, s9  }
.Ltmp6:
0x18a: {  	[sflag:s22] =	ssyncset.done $0x0;
	(pc) =	sbr.rel @p0 .LBB2_1-.Ltmp6, $4  }
0x18b: {  	[sflag:s22] =	ssyncadd.s32 $0xFFFFE000  }
0x18c: {  	_ =	swait.ge [sflag:s20], $0x2000  }
0x18d: {  	[sflag:s20] =	ssyncset.done $0x0  }
0x18e: {  	[sflag:s20] =	ssyncadd.s32 $0xFFFFE000  }
0x18f: {  	_ =	sfence.sel $0x180000  }
0x190: {  	[bflag:$0x0] =	sbarrier.arrive $0xFFFF  }
0x191: {  	_ =	strace $0x9000004A  }
0x192: {  	[bflag:$0x2] =	sbarrier.arrive $0xFFFF  }
0x193: {  	p0 =	sne.s32 s0, $0x0;
	s0 =	rddreg [dreg:$0x3]  }
0x194: {  	s0 =	sadd.s32 @!p0 $0x100000, s0  }
0x195: {  	[sflag:s0] =	ssyncadd.tile.s32 @!p0 $0x1;
	_ =	shalt  }
.Lfunc_end2:
_tile_overlayer_lowered:
.L_overlay_start_2:
0x196: {  	(tag) =	ssettag $0x2  }
0x197: {  	s0 =	rddreg [dreg:$0x0];
	s2 =	stileid.u32  }
0x198: {  	s1 =	rddreg [dreg:$0x1];
	p0 =	sne.s32 s2, $0x0  }
0x199: {  	s3 =	rddreg [dreg:$0x2];
	[bflag:$0x3] =	sbarrier.arrive $0xFFFF;
	s2 =	simm.s32 @!p0 $0x1C05  }
0x19a: {  	[timem:s3], [sflag:s2] =	dma.local @!p0 [hbm:s0], s1  }
0x19b: {  	s0 =	simm.s32 @!p0 $0x5  }
0x19c: {  	_ =	swait.ge @!p0 [sflag:s0], s1  }
0x19d: {  	s1 =	ssub.s32 @!p0 $0x0, s1;
	[sflag:s0] =	ssyncset.done @!p0 $0x0  }
0x19e: {  	[sflag:s0] =	ssyncadd.s32 @!p0 s1  }
0x19f: {  	[bflag:$0x3] =	sbarrier.arrive $0xFFFF  }
0x1a0: {  	_ =	shalt  }

</sc_bundles>
